<compile_context>
chip_gen: v7x
topology: tpu7x:2x2x1
jax: 0.10.2.dev20260603
libtpu: 0.0.44.dev20260713+nightly
codegen_flags: <defaults>
</compile_context>

<pallas_src>
import functools

import jax
import jax.numpy as jnp
from jax import lax
from jax.experimental import pallas as pl
from jax.experimental.pallas import tpu as pltpu
from jax.experimental.pallas import tpu_sc as plsc

NUM_E = 8
TOPK = 2
_BT = 4096


def _scores_body(xl_ref, xr_ref, wl_ref, wr_ref, b_ref, s_ref, sel_ref):
    dn = (((1,), (1,)), ((), ()))
    logits = (
        lax.dot_general(wl_ref[...], xl_ref[...], dn,
                        preferred_element_type=jnp.float32)
        + lax.dot_general(wr_ref[...], xr_ref[...], dn,
                          preferred_element_type=jnp.float32))
    s = jax.nn.sigmoid(logits)
    s_ref[...] = s
    sel_ref[...] = s + b_ref[...]


def _tc_scores(xf, weight, bias2d, chunk, n_chunks):
    n = xf.shape[0]
    dim = xf.shape[1]
    half = dim // 2
    nc_tok = n // n_chunks
    blocks = nc_tok // _BT
    off = chunk * blocks
    out = jax.ShapeDtypeStruct((NUM_E, nc_tok), jnp.float32)
    return pl.pallas_call(
        _scores_body,
        grid=(blocks,),
        in_specs=[
            pl.BlockSpec((_BT, half), lambda i: (i + off, 0)),
            pl.BlockSpec((_BT, half), lambda i: (i + off, 1)),
            pl.BlockSpec((NUM_E, half), lambda i: (0, 0)),
            pl.BlockSpec((NUM_E, half), lambda i: (0, 1)),
            pl.BlockSpec((NUM_E, 1), lambda i: (0, 0)),
        ],
        out_specs=[
            pl.BlockSpec((NUM_E, _BT), lambda i: (0, i)),
            pl.BlockSpec((NUM_E, _BT), lambda i: (0, i)),
        ],
        out_shape=[out, out],
    )(xf, xf, weight, weight, bias2d)


def _make_sc_route(n):
    info = plsc.get_sparse_core_info()
    nc, ns, nl = info.num_cores, info.num_subcores, info.num_lanes
    nw = nc * ns
    tpw = n // nw
    ngrp = tpw // nl
    mesh = plsc.VectorSubcoreMesh(core_axis_name="c", subcore_axis_name="s")

    @functools.partial(
        pl.kernel,
        out_type=[
            jax.ShapeDtypeStruct((TOPK * n,), jnp.float32),
            jax.ShapeDtypeStruct((TOPK * n,), jnp.int32),
        ],
        mesh=mesh,
        compiler_params=pltpu.CompilerParams(needs_layout_passes=False),
        scratch_types=[
            pltpu.VMEM((NUM_E, tpw), jnp.float32),
            pltpu.VMEM((NUM_E, tpw), jnp.float32),
            pltpu.VMEM((TOPK * tpw,), jnp.float32),
            pltpu.VMEM((TOPK * tpw,), jnp.int32),
            pltpu.SemaphoreType.DMA,
        ],
    )
    def route(s_hbm, sel_hbm, w_out, i_out,
              s_v, sel_v, wo_v, io_v, sem):
        wid = lax.axis_index("s") * nc + lax.axis_index("c")
        base = wid * tpw
        copies = []
        for e in range(NUM_E):
            copies.append(pltpu.async_copy(
                s_hbm.at[e, pl.ds(base, tpw)], s_v.at[e], sem))
            copies.append(pltpu.async_copy(
                sel_hbm.at[e, pl.ds(base, tpw)], sel_v.at[e], sem))
        for cp in copies:
            cp.wait()
        lane = lax.iota(jnp.int32, nl)

        def group(g, carry):
            off = g * nl
            s = [s_v[e, pl.ds(off, nl)] for e in range(NUM_E)]
            sel = [sel_v[e, pl.ds(off, nl)] for e in range(NUM_E)]
            m1 = sel[0]
            w1 = s[0]
            i1 = jnp.zeros((nl,), jnp.int32)
            m2 = jnp.full((nl,), -jnp.inf, jnp.float32)
            w2 = jnp.zeros((nl,), jnp.float32)
            i2 = jnp.zeros((nl,), jnp.int32)
            for e in range(1, NUM_E):
                ev = jnp.full((nl,), e, jnp.int32)
                c1 = sel[e] > m1
                c2 = sel[e] > m2
                m2 = jnp.where(c1, m1, jnp.where(c2, sel[e], m2))
                w2 = jnp.where(c1, w1, jnp.where(c2, s[e], w2))
                i2 = jnp.where(c1, i1, jnp.where(c2, ev, i2))
                m1 = jnp.where(c1, sel[e], m1)
                w1 = jnp.where(c1, s[e], w1)
                i1 = jnp.where(c1, ev, i1)
            tot = w1 + w2 + 1e-20
            pos = (off + lane) * TOPK
            plsc.store_scatter(wo_v, [pos], w1 / tot)
            plsc.store_scatter(wo_v, [pos + 1], w2 / tot)
            plsc.store_scatter(io_v, [pos], i1)
            plsc.store_scatter(io_v, [pos + 1], i2)
            return carry

        lax.fori_loop(0, ngrp, group, 0)
        outs = [
            pltpu.async_copy(wo_v, w_out.at[pl.ds(TOPK * base, TOPK * tpw)], sem),
            pltpu.async_copy(io_v, i_out.at[pl.ds(TOPK * base, TOPK * tpw)], sem),
        ]
        for cp in outs:
            cp.wait()

    return route


_NCHUNKS = 1


def kernel(x, weight, bias):
    b, t, dim = x.shape
    n = b * t
    xf = x.reshape(n, dim)
    bias2d = bias.reshape(NUM_E, 1)
    s_t, sel_t = _tc_scores(xf, weight, bias2d, 0, _NCHUNKS)
    w_flat, i_flat = _make_sc_route(n)(s_t, sel_t)
    return w_flat.reshape(b, t, TOPK), i_flat.reshape(b, t, TOPK)

# --- scband reference (transcript-rebuilt; emitter-appended) ---
"""Pipeline reference for scband-gate-11527692222468 (READ-ONLY COPY).

The authoritative reference and input builder live on the scoring server;
editing this copy changes nothing except your own understanding.
"""

import jax, jax.numpy as jnp
import numpy as np

NUM_ROUTED = 8
DIM = 768
TOPK = 2
ROUTE_SCALE = 1.0


def setup_inputs(seed: int = 0) -> dict:
    key = jax.random.key(seed)
    k1, k2 = jax.random.split(key, 2)
    x = jax.random.normal(k1, (4, 8192, DIM), dtype=jnp.float32)
    weight = jax.random.normal(k2, (NUM_ROUTED, DIM), dtype=jnp.float32) * (1.0 / np.sqrt(DIM))
    bias = jnp.zeros((NUM_ROUTED,), dtype=jnp.float32)
    return {"x": x, "weight": weight, "bias": bias}


def reference(x, weight, bias):
    # logits = F.linear(x, weight)  -> x @ weight.T
    logits = jnp.einsum('bsd,ed->bse', x, weight)
    scores = jax.nn.sigmoid(logits)
    original_scores = scores
    scores_for_selection = scores + bias
    _, indices = jax.lax.top_k(scores_for_selection, TOPK)
    weights = jnp.take_along_axis(original_scores, indices, axis=-1)
    weights = weights / (jnp.sum(weights, axis=-1, keepdims=True) + 1e-20)
    weights = weights * ROUTE_SCALE
    return weights, indices

if __name__ == "__main__":
    import jax
    _d = setup_inputs()
    print(jax.jit(kernel)(*tuple(_d.values())))

</pallas_src>

<mosaic_0001>
#map = affine_map<(d0, d1) -> (0, 0)>
#map1 = affine_map<(d0, d1) -> (0)>
module attributes {stable_mosaic.version = 14 : i64} {
  func.func @route(%arg0: i32, %arg1: i32, %arg2: memref<8x32768xf32, #tpu.memory_space<hbm>>, %arg3: memref<8x32768xf32, #tpu.memory_space<hbm>>, %arg4: memref<65536xf32, #tpu.memory_space<hbm>>, %arg5: memref<65536xi32, #tpu.memory_space<hbm>>, %arg6: memref<8x1024xf32, #tpu.memory_space<vmem>>, %arg7: memref<8x1024xf32, #tpu.memory_space<vmem>>, %arg8: memref<2048xf32, #tpu.memory_space<vmem>>, %arg9: memref<2048xi32, #tpu.memory_space<vmem>>, %arg10: memref<!tpu.dma_semaphore, #tpu.memory_space<semaphore_mem>>) attributes {dimension_semantics = [#tpu.dimension_semantics<core_parallel>, #tpu.dimension_semantics<subcore_parallel>], iteration_bounds = array<i64: 2, 16>, scalar_prefetch = 0 : i64, scratch_operands = 5 : i64, tpu.core_type = #tpu.core_type<sc_vector_subcore>, window_params = [{transform_indices = #map}, {transform_indices = #map}, {transform_indices = #map1}, {transform_indices = #map1}]} {
    %mul3A = arith.constant 2 : i32
    %mul3A_0 = arith.muli %arg1, %mul3A : i32
    %add3A = arith.addi %mul3A_0, %arg0 : i32
    %mul3A_1 = arith.constant 1024 : i32
    %mul3A_2 = arith.muli %add3A, %mul3A_1 : i32
    %dma_start3A = arith.constant 0 : i32
    %dma_start3A_3 = arith.constant 0 : i32
    %dma_start3A_4 = arith.constant 0 : i32
    %dma_start3A_5 = tpu.memref_slice %arg6[%dma_start3A_3, %dma_start3A_4] : memref<8x1024xf32, #tpu.memory_space<vmem>> -> memref<1x1024xf32, #tpu.memory_space<vmem>>
    %dma_start3A_6 = tpu.memref_squeeze %dma_start3A_5 : memref<1x1024xf32, #tpu.memory_space<vmem>> -> memref<1024xf32, #tpu.memory_space<vmem>>
    %dma_start3A_7 = tpu.memref_slice %arg2[%dma_start3A, %mul3A_2] : memref<8x32768xf32, #tpu.memory_space<hbm>> -> memref<1x1024xf32, #tpu.memory_space<hbm>>
    %dma_start3A_8 = tpu.memref_squeeze %dma_start3A_7 : memref<1x1024xf32, #tpu.memory_space<hbm>> -> memref<1024xf32, #tpu.memory_space<hbm>>
    %dma_start3A_9 = arith.constant 0 : i32
    %dma_start3A_10 = tpu.memref_slice %arg6[%dma_start3A_3, %dma_start3A_9] : memref<8x1024xf32, #tpu.memory_space<vmem>> -> memref<1x1024xf32, #tpu.memory_space<vmem>>
    %dma_start3A_11 = tpu.memref_squeeze %dma_start3A_10 : memref<1x1024xf32, #tpu.memory_space<vmem>> -> memref<1024xf32, #tpu.memory_space<vmem>>
    %dma_start3A_12 = tpu.memref_slice %arg2[%dma_start3A, %mul3A_2] : memref<8x32768xf32, #tpu.memory_space<hbm>> -> memref<1x1024xf32, #tpu.memory_space<hbm>>
    %dma_start3A_13 = tpu.memref_squeeze %dma_start3A_12 : memref<1x1024xf32, #tpu.memory_space<hbm>> -> memref<1024xf32, #tpu.memory_space<hbm>>
    tpu.enqueue_dma source(%dma_start3A_13 : memref<1024xf32, #tpu.memory_space<hbm>>) target(%dma_start3A_11 : memref<1024xf32, #tpu.memory_space<vmem>>) target_semaphore(%arg10 : memref<!tpu.dma_semaphore, #tpu.memory_space<semaphore_mem>>)
    %dma_start3A_14 = arith.constant 0 : i32
    %dma_start3A_15 = arith.constant 0 : i32
    %dma_start3A_16 = arith.constant 0 : i32
    %dma_start3A_17 = tpu.memref_slice %arg7[%dma_start3A_15, %dma_start3A_16] : memref<8x1024xf32, #tpu.memory_space<vmem>> -> memref<1x1024xf32, #tpu.memory_space<vmem>>
    %dma_start3A_18 = tpu.memref_squeeze %dma_start3A_17 : memref<1x1024xf32, #tpu.memory_space<vmem>> -> memref<1024xf32, #tpu.memory_space<vmem>>
    %dma_start3A_19 = tpu.memref_slice %arg3[%dma_start3A_14, %mul3A_2] : memref<8x32768xf32, #tpu.memory_space<hbm>> -> memref<1x1024xf32, #tpu.memory_space<hbm>>
    %dma_start3A_20 = tpu.memref_squeeze %dma_start3A_19 : memref<1x1024xf32, #tpu.memory_space<hbm>> -> memref<1024xf32, #tpu.memory_space<hbm>>
    %dma_start3A_21 = arith.constant 0 : i32
    %dma_start3A_22 = tpu.memref_slice %arg7[%dma_start3A_15, %dma_start3A_21] : memref<8x1024xf32, #tpu.memory_space<vmem>> -> memref<1x1024xf32, #tpu.memory_space<vmem>>
    %dma_start3A_23 = tpu.memref_squeeze %dma_start3A_22 : memref<1x1024xf32, #tpu.memory_space<vmem>> -> memref<1024xf32, #tpu.memory_space<vmem>>
    %dma_start3A_24 = tpu.memref_slice %arg3[%dma_start3A_14, %mul3A_2] : memref<8x32768xf32, #tpu.memory_space<hbm>> -> memref<1x1024xf32, #tpu.memory_space<hbm>>
    %dma_start3A_25 = tpu.memref_squeeze %dma_start3A_24 : memref<1x1024xf32, #tpu.memory_space<hbm>> -> memref<1024xf32, #tpu.memory_space<hbm>>
    tpu.enqueue_dma source(%dma_start3A_25 : memref<1024xf32, #tpu.memory_space<hbm>>) target(%dma_start3A_23 : memref<1024xf32, #tpu.memory_space<vmem>>) target_semaphore(%arg10 : memref<!tpu.dma_semaphore, #tpu.memory_space<semaphore_mem>>)
    %dma_start3A_26 = arith.constant 1 : i32
    %dma_start3A_27 = arith.constant 1 : i32
    %dma_start3A_28 = arith.constant 0 : i32
    %dma_start3A_29 = tpu.memref_slice %arg6[%dma_start3A_27, %dma_start3A_28] : memref<8x1024xf32, #tpu.memory_space<vmem>> -> memref<1x1024xf32, #tpu.memory_space<vmem>>
    %dma_start3A_30 = tpu.memref_squeeze %dma_start3A_29 : memref<1x1024xf32, #tpu.memory_space<vmem>> -> memref<1024xf32, #tpu.memory_space<vmem>>
    %dma_start3A_31 = tpu.memref_slice %arg2[%dma_start3A_26, %mul3A_2] : memref<8x32768xf32, #tpu.memory_space<hbm>> -> memref<1x1024xf32, #tpu.memory_space<hbm>>
    %dma_start3A_32 = tpu.memref_squeeze %dma_start3A_31 : memref<1x1024xf32, #tpu.memory_space<hbm>> -> memref<1024xf32, #tpu.memory_space<hbm>>
    %dma_start3A_33 = arith.constant 0 : i32
    %dma_start3A_34 = tpu.memref_slice %arg6[%dma_start3A_27, %dma_start3A_33] : memref<8x1024xf32, #tpu.memory_space<vmem>> -> memref<1x1024xf32, #tpu.memory_space<vmem>>
    %dma_start3A_35 = tpu.memref_squeeze %dma_start3A_34 : memref<1x1024xf32, #tpu.memory_space<vmem>> -> memref<1024xf32, #tpu.memory_space<vmem>>
    %dma_start3A_36 = tpu.memref_slice %arg2[%dma_start3A_26, %mul3A_2] : memref<8x32768xf32, #tpu.memory_space<hbm>> -> memref<1x1024xf32, #tpu.memory_space<hbm>>
    %dma_start3A_37 = tpu.memref_squeeze %dma_start3A_36 : memref<1x1024xf32, #tpu.memory_space<hbm>> -> memref<1024xf32, #tpu.memory_space<hbm>>
    tpu.enqueue_dma source(%dma_start3A_37 : memref<1024xf32, #tpu.memory_space<hbm>>) target(%dma_start3A_35 : memref<1024xf32, #tpu.memory_space<vmem>>) target_semaphore(%arg10 : memref<!tpu.dma_semaphore, #tpu.memory_space<semaphore_mem>>)
    %dma_start3A_38 = arith.constant 1 : i32
    %dma_start3A_39 = arith.constant 1 : i32
    %dma_start3A_40 = arith.constant 0 : i32
    %dma_start3A_41 = tpu.memref_slice %arg7[%dma_start3A_39, %dma_start3A_40] : memref<8x1024xf32, #tpu.memory_space<vmem>> -> memref<1x1024xf32, #tpu.memory_space<vmem>>
    %dma_start3A_42 = tpu.memref_squeeze %dma_start3A_41 : memref<1x1024xf32, #tpu.memory_space<vmem>> -> memref<1024xf32, #tpu.memory_space<vmem>>
    %dma_start3A_43 = tpu.memref_slice %arg3[%dma_start3A_38, %mul3A_2] : memref<8x32768xf32, #tpu.memory_space<hbm>> -> memref<1x1024xf32, #tpu.memory_space<hbm>>
    %dma_start3A_44 = tpu.memref_squeeze %dma_start3A_43 : memref<1x1024xf32, #tpu.memory_space<hbm>> -> memref<1024xf32, #tpu.memory_space<hbm>>
    %dma_start3A_45 = arith.constant 0 : i32
    %dma_start3A_46 = tpu.memref_slice %arg7[%dma_start3A_39, %dma_start3A_45] : memref<8x1024xf32, #tpu.memory_space<vmem>> -> memref<1x1024xf32, #tpu.memory_space<vmem>>
    %dma_start3A_47 = tpu.memref_squeeze %dma_start3A_46 : memref<1x1024xf32, #tpu.memory_space<vmem>> -> memref<1024xf32, #tpu.memory_space<vmem>>
    %dma_start3A_48 = tpu.memref_slice %arg3[%dma_start3A_38, %mul3A_2] : memref<8x32768xf32, #tpu.memory_space<hbm>> -> memref<1x1024xf32, #tpu.memory_space<hbm>>
    %dma_start3A_49 = tpu.memref_squeeze %dma_start3A_48 : memref<1x1024xf32, #tpu.memory_space<hbm>> -> memref<1024xf32, #tpu.memory_space<hbm>>
    tpu.enqueue_dma source(%dma_start3A_49 : memref<1024xf32, #tpu.memory_space<hbm>>) target(%dma_start3A_47 : memref<1024xf32, #tpu.memory_space<vmem>>) target_semaphore(%arg10 : memref<!tpu.dma_semaphore, #tpu.memory_space<semaphore_mem>>)
    %dma_start3A_50 = arith.constant 2 : i32
    %dma_start3A_51 = arith.constant 2 : i32
    %dma_start3A_52 = arith.constant 0 : i32
    %dma_start3A_53 = tpu.memref_slice %arg6[%dma_start3A_51, %dma_start3A_52] : memref<8x1024xf32, #tpu.memory_space<vmem>> -> memref<1x1024xf32, #tpu.memory_space<vmem>>
    %dma_start3A_54 = tpu.memref_squeeze %dma_start3A_53 : memref<1x1024xf32, #tpu.memory_space<vmem>> -> memref<1024xf32, #tpu.memory_space<vmem>>
    %dma_start3A_55 = tpu.memref_slice %arg2[%dma_start3A_50, %mul3A_2] : memref<8x32768xf32, #tpu.memory_space<hbm>> -> memref<1x1024xf32, #tpu.memory_space<hbm>>
    %dma_start3A_56 = tpu.memref_squeeze %dma_start3A_55 : memref<1x1024xf32, #tpu.memory_space<hbm>> -> memref<1024xf32, #tpu.memory_space<hbm>>
    %dma_start3A_57 = arith.constant 0 : i32
    %dma_start3A_58 = tpu.memref_slice %arg6[%dma_start3A_51, %dma_start3A_57] : memref<8x1024xf32, #tpu.memory_space<vmem>> -> memref<1x1024xf32, #tpu.memory_space<vmem>>
    %dma_start3A_59 = tpu.memref_squeeze %dma_start3A_58 : memref<1x1024xf32, #tpu.memory_space<vmem>> -> memref<1024xf32, #tpu.memory_space<vmem>>
    %dma_start3A_60 = tpu.memref_slice %arg2[%dma_start3A_50, %mul3A_2] : memref<8x32768xf32, #tpu.memory_space<hbm>> -> memref<1x1024xf32, #tpu.memory_space<hbm>>
    %dma_start3A_61 = tpu.memref_squeeze %dma_start3A_60 : memref<1x1024xf32, #tpu.memory_space<hbm>> -> memref<1024xf32, #tpu.memory_space<hbm>>
    tpu.enqueue_dma source(%dma_start3A_61 : memref<1024xf32, #tpu.memory_space<hbm>>) target(%dma_start3A_59 : memref<1024xf32, #tpu.memory_space<vmem>>) target_semaphore(%arg10 : memref<!tpu.dma_semaphore, #tpu.memory_space<semaphore_mem>>)
    %dma_start3A_62 = arith.constant 2 : i32
    %dma_start3A_63 = arith.constant 2 : i32
    %dma_start3A_64 = arith.constant 0 : i32
    %dma_start3A_65 = tpu.memref_slice %arg7[%dma_start3A_63, %dma_start3A_64] : memref<8x1024xf32, #tpu.memory_space<vmem>> -> memref<1x1024xf32, #tpu.memory_space<vmem>>
    %dma_start3A_66 = tpu.memref_squeeze %dma_start3A_65 : memref<1x1024xf32, #tpu.memory_space<vmem>> -> memref<1024xf32, #tpu.memory_space<vmem>>
    %dma_start3A_67 = tpu.memref_slice %arg3[%dma_start3A_62, %mul3A_2] : memref<8x32768xf32, #tpu.memory_space<hbm>> -> memref<1x1024xf32, #tpu.memory_space<hbm>>
    %dma_start3A_68 = tpu.memref_squeeze %dma_start3A_67 : memref<1x1024xf32, #tpu.memory_space<hbm>> -> memref<1024xf32, #tpu.memory_space<hbm>>
    %dma_start3A_69 = arith.constant 0 : i32
    %dma_start3A_70 = tpu.memref_slice %arg7[%dma_start3A_63, %dma_start3A_69] : memref<8x1024xf32, #tpu.memory_space<vmem>> -> memref<1x1024xf32, #tpu.memory_space<vmem>>
    %dma_start3A_71 = tpu.memref_squeeze %dma_start3A_70 : memref<1x1024xf32, #tpu.memory_space<vmem>> -> memref<1024xf32, #tpu.memory_space<vmem>>
    %dma_start3A_72 = tpu.memref_slice %arg3[%dma_start3A_62, %mul3A_2] : memref<8x32768xf32, #tpu.memory_space<hbm>> -> memref<1x1024xf32, #tpu.memory_space<hbm>>
    %dma_start3A_73 = tpu.memref_squeeze %dma_start3A_72 : memref<1x1024xf32, #tpu.memory_space<hbm>> -> memref<1024xf32, #tpu.memory_space<hbm>>
    tpu.enqueue_dma source(%dma_start3A_73 : memref<1024xf32, #tpu.memory_space<hbm>>) target(%dma_start3A_71 : memref<1024xf32, #tpu.memory_space<vmem>>) target_semaphore(%arg10 : memref<!tpu.dma_semaphore, #tpu.memory_space<semaphore_mem>>)
    %dma_start3A_74 = arith.constant 3 : i32
    %dma_start3A_75 = arith.constant 3 : i32
    %dma_start3A_76 = arith.constant 0 : i32
    %dma_start3A_77 = tpu.memref_slice %arg6[%dma_start3A_75, %dma_start3A_76] : memref<8x1024xf32, #tpu.memory_space<vmem>> -> memref<1x1024xf32, #tpu.memory_space<vmem>>
    %dma_start3A_78 = tpu.memref_squeeze %dma_start3A_77 : memref<1x1024xf32, #tpu.memory_space<vmem>> -> memref<1024xf32, #tpu.memory_space<vmem>>
    %dma_start3A_79 = tpu.memref_slice %arg2[%dma_start3A_74, %mul3A_2] : memref<8x32768xf32, #tpu.memory_space<hbm>> -> memref<1x1024xf32, #tpu.memory_space<hbm>>
    %dma_start3A_80 = tpu.memref_squeeze %dma_start3A_79 : memref<1x1024xf32, #tpu.memory_space<hbm>> -> memref<1024xf32, #tpu.memory_space<hbm>>
    %dma_start3A_81 = arith.constant 0 : i32
    %dma_start3A_82 = tpu.memref_slice %arg6[%dma_start3A_75, %dma_start3A_81] : memref<8x1024xf32, #tpu.memory_space<vmem>> -> memref<1x1024xf32, #tpu.memory_space<vmem>>
    %dma_start3A_83 = tpu.memref_squeeze %dma_start3A_82 : memref<1x1024xf32, #tpu.memory_space<vmem>> -> memref<1024xf32, #tpu.memory_space<vmem>>
    %dma_start3A_84 = tpu.memref_slice %arg2[%dma_start3A_74, %mul3A_2] : memref<8x32768xf32, #tpu.memory_space<hbm>> -> memref<1x1024xf32, #tpu.memory_space<hbm>>
    %dma_start3A_85 = tpu.memref_squeeze %dma_start3A_84 : memref<1x1024xf32, #tpu.memory_space<hbm>> -> memref<1024xf32, #tpu.memory_space<hbm>>
    tpu.enqueue_dma source(%dma_start3A_85 : memref<1024xf32, #tpu.memory_space<hbm>>) target(%dma_start3A_83 : memref<1024xf32, #tpu.memory_space<vmem>>) target_semaphore(%arg10 : memref<!tpu.dma_semaphore, #tpu.memory_space<semaphore_mem>>)
    %dma_start3A_86 = arith.constant 3 : i32
    %dma_start3A_87 = arith.constant 3 : i32
    %dma_start3A_88 = arith.constant 0 : i32
    %dma_start3A_89 = tpu.memref_slice %arg7[%dma_start3A_87, %dma_start3A_88] : memref<8x1024xf32, #tpu.memory_space<vmem>> -> memref<1x1024xf32, #tpu.memory_space<vmem>>
    %dma_start3A_90 = tpu.memref_squeeze %dma_start3A_89 : memref<1x1024xf32, #tpu.memory_space<vmem>> -> memref<1024xf32, #tpu.memory_space<vmem>>
    %dma_start3A_91 = tpu.memref_slice %arg3[%dma_start3A_86, %mul3A_2] : memref<8x32768xf32, #tpu.memory_space<hbm>> -> memref<1x1024xf32, #tpu.memory_space<hbm>>
    %dma_start3A_92 = tpu.memref_squeeze %dma_start3A_91 : memref<1x1024xf32, #tpu.memory_space<hbm>> -> memref<1024xf32, #tpu.memory_space<hbm>>
    %dma_start3A_93 = arith.constant 0 : i32
    %dma_start3A_94 = tpu.memref_slice %arg7[%dma_start3A_87, %dma_start3A_93] : memref<8x1024xf32, #tpu.memory_space<vmem>> -> memref<1x1024xf32, #tpu.memory_space<vmem>>
    %dma_start3A_95 = tpu.memref_squeeze %dma_start3A_94 : memref<1x1024xf32, #tpu.memory_space<vmem>> -> memref<1024xf32, #tpu.memory_space<vmem>>
    %dma_start3A_96 = tpu.memref_slice %arg3[%dma_start3A_86, %mul3A_2] : memref<8x32768xf32, #tpu.memory_space<hbm>> -> memref<1x1024xf32, #tpu.memory_space<hbm>>
    %dma_start3A_97 = tpu.memref_squeeze %dma_start3A_96 : memref<1x1024xf32, #tpu.memory_space<hbm>> -> memref<1024xf32, #tpu.memory_space<hbm>>
    tpu.enqueue_dma source(%dma_start3A_97 : memref<1024xf32, #tpu.memory_space<hbm>>) target(%dma_start3A_95 : memref<1024xf32, #tpu.memory_space<vmem>>) target_semaphore(%arg10 : memref<!tpu.dma_semaphore, #tpu.memory_space<semaphore_mem>>)
    %dma_start3A_98 = arith.constant 4 : i32
    %dma_start3A_99 = arith.constant 4 : i32
    %dma_start3A_100 = arith.constant 0 : i32
    %dma_start3A_101 = tpu.memref_slice %arg6[%dma_start3A_99, %dma_start3A_100] : memref<8x1024xf32, #tpu.memory_space<vmem>> -> memref<1x1024xf32, #tpu.memory_space<vmem>>
    %dma_start3A_102 = tpu.memref_squeeze %dma_start3A_101 : memref<1x1024xf32, #tpu.memory_space<vmem>> -> memref<1024xf32, #tpu.memory_space<vmem>>
    %dma_start3A_103 = tpu.memref_slice %arg2[%dma_start3A_98, %mul3A_2] : memref<8x32768xf32, #tpu.memory_space<hbm>> -> memref<1x1024xf32, #tpu.memory_space<hbm>>
    %dma_start3A_104 = tpu.memref_squeeze %dma_start3A_103 : memref<1x1024xf32, #tpu.memory_space<hbm>> -> memref<1024xf32, #tpu.memory_space<hbm>>
    %dma_start3A_105 = arith.constant 0 : i32
    %dma_start3A_106 = tpu.memref_slice %arg6[%dma_start3A_99, %dma_start3A_105] : memref<8x1024xf32, #tpu.memory_space<vmem>> -> memref<1x1024xf32, #tpu.memory_space<vmem>>
    %dma_start3A_107 = tpu.memref_squeeze %dma_start3A_106 : memref<1x1024xf32, #tpu.memory_space<vmem>> -> memref<1024xf32, #tpu.memory_space<vmem>>
    %dma_start3A_108 = tpu.memref_slice %arg2[%dma_start3A_98, %mul3A_2] : memref<8x32768xf32, #tpu.memory_space<hbm>> -> memref<1x1024xf32, #tpu.memory_space<hbm>>
    %dma_start3A_109 = tpu.memref_squeeze %dma_start3A_108 : memref<1x1024xf32, #tpu.memory_space<hbm>> -> memref<1024xf32, #tpu.memory_space<hbm>>
    tpu.enqueue_dma source(%dma_start3A_109 : memref<1024xf32, #tpu.memory_space<hbm>>) target(%dma_start3A_107 : memref<1024xf32, #tpu.memory_space<vmem>>) target_semaphore(%arg10 : memref<!tpu.dma_semaphore, #tpu.memory_space<semaphore_mem>>)
    %dma_start3A_110 = arith.constant 4 : i32
    %dma_start3A_111 = arith.constant 4 : i32
    %dma_start3A_112 = arith.constant 0 : i32
    %dma_start3A_113 = tpu.memref_slice %arg7[%dma_start3A_111, %dma_start3A_112] : memref<8x1024xf32, #tpu.memory_space<vmem>> -> memref<1x1024xf32, #tpu.memory_space<vmem>>
    %dma_start3A_114 = tpu.memref_squeeze %dma_start3A_113 : memref<1x1024xf32, #tpu.memory_space<vmem>> -> memref<1024xf32, #tpu.memory_space<vmem>>
    %dma_start3A_115 = tpu.memref_slice %arg3[%dma_start3A_110, %mul3A_2] : memref<8x32768xf32, #tpu.memory_space<hbm>> -> memref<1x1024xf32, #tpu.memory_space<hbm>>
    %dma_start3A_116 = tpu.memref_squeeze %dma_start3A_115 : memref<1x1024xf32, #tpu.memory_space<hbm>> -> memref<1024xf32, #tpu.memory_space<hbm>>
    %dma_start3A_117 = arith.constant 0 : i32
    %dma_start3A_118 = tpu.memref_slice %arg7[%dma_start3A_111, %dma_start3A_117] : memref<8x1024xf32, #tpu.memory_space<vmem>> -> memref<1x1024xf32, #tpu.memory_space<vmem>>
    %dma_start3A_119 = tpu.memref_squeeze %dma_start3A_118 : memref<1x1024xf32, #tpu.memory_space<vmem>> -> memref<1024xf32, #tpu.memory_space<vmem>>
    %dma_start3A_120 = tpu.memref_slice %arg3[%dma_start3A_110, %mul3A_2] : memref<8x32768xf32, #tpu.memory_space<hbm>> -> memref<1x1024xf32, #tpu.memory_space<hbm>>
    %dma_start3A_121 = tpu.memref_squeeze %dma_start3A_120 : memref<1x1024xf32, #tpu.memory_space<hbm>> -> memref<1024xf32, #tpu.memory_space<hbm>>
    tpu.enqueue_dma source(%dma_start3A_121 : memref<1024xf32, #tpu.memory_space<hbm>>) target(%dma_start3A_119 : memref<1024xf32, #tpu.memory_space<vmem>>) target_semaphore(%arg10 : memref<!tpu.dma_semaphore, #tpu.memory_space<semaphore_mem>>)
    %dma_start3A_122 = arith.constant 5 : i32
    %dma_start3A_123 = arith.constant 5 : i32
    %dma_start3A_124 = arith.constant 0 : i32
    %dma_start3A_125 = tpu.memref_slice %arg6[%dma_start3A_123, %dma_start3A_124] : memref<8x1024xf32, #tpu.memory_space<vmem>> -> memref<1x1024xf32, #tpu.memory_space<vmem>>
    %dma_start3A_126 = tpu.memref_squeeze %dma_start3A_125 : memref<1x1024xf32, #tpu.memory_space<vmem>> -> memref<1024xf32, #tpu.memory_space<vmem>>
    %dma_start3A_127 = tpu.memref_slice %arg2[%dma_start3A_122, %mul3A_2] : memref<8x32768xf32, #tpu.memory_space<hbm>> -> memref<1x1024xf32, #tpu.memory_space<hbm>>
    %dma_start3A_128 = tpu.memref_squeeze %dma_start3A_127 : memref<1x1024xf32, #tpu.memory_space<hbm>> -> memref<1024xf32, #tpu.memory_space<hbm>>
    %dma_start3A_129 = arith.constant 0 : i32
    %dma_start3A_130 = tpu.memref_slice %arg6[%dma_start3A_123, %dma_start3A_129] : memref<8x1024xf32, #tpu.memory_space<vmem>> -> memref<1x1024xf32, #tpu.memory_space<vmem>>
    %dma_start3A_131 = tpu.memref_squeeze %dma_start3A_130 : memref<1x1024xf32, #tpu.memory_space<vmem>> -> memref<1024xf32, #tpu.memory_space<vmem>>
    %dma_start3A_132 = tpu.memref_slice %arg2[%dma_start3A_122, %mul3A_2] : memref<8x32768xf32, #tpu.memory_space<hbm>> -> memref<1x1024xf32, #tpu.memory_space<hbm>>
    %dma_start3A_133 = tpu.memref_squeeze %dma_start3A_132 : memref<1x1024xf32, #tpu.memory_space<hbm>> -> memref<1024xf32, #tpu.memory_space<hbm>>
    tpu.enqueue_dma source(%dma_start3A_133 : memref<1024xf32, #tpu.memory_space<hbm>>) target(%dma_start3A_131 : memref<1024xf32, #tpu.memory_space<vmem>>) target_semaphore(%arg10 : memref<!tpu.dma_semaphore, #tpu.memory_space<semaphore_mem>>)
    %dma_start3A_134 = arith.constant 5 : i32
    %dma_start3A_135 = arith.constant 5 : i32
    %dma_start3A_136 = arith.constant 0 : i32
    %dma_start3A_137 = tpu.memref_slice %arg7[%dma_start3A_135, %dma_start3A_136] : memref<8x1024xf32, #tpu.memory_space<vmem>> -> memref<1x1024xf32, #tpu.memory_space<vmem>>
    %dma_start3A_138 = tpu.memref_squeeze %dma_start3A_137 : memref<1x1024xf32, #tpu.memory_space<vmem>> -> memref<1024xf32, #tpu.memory_space<vmem>>
    %dma_start3A_139 = tpu.memref_slice %arg3[%dma_start3A_134, %mul3A_2] : memref<8x32768xf32, #tpu.memory_space<hbm>> -> memref<1x1024xf32, #tpu.memory_space<hbm>>
    %dma_start3A_140 = tpu.memref_squeeze %dma_start3A_139 : memref<1x1024xf32, #tpu.memory_space<hbm>> -> memref<1024xf32, #tpu.memory_space<hbm>>
    %dma_start3A_141 = arith.constant 0 : i32
    %dma_start3A_142 = tpu.memref_slice %arg7[%dma_start3A_135, %dma_start3A_141] : memref<8x1024xf32, #tpu.memory_space<vmem>> -> memref<1x1024xf32, #tpu.memory_space<vmem>>
    %dma_start3A_143 = tpu.memref_squeeze %dma_start3A_142 : memref<1x1024xf32, #tpu.memory_space<vmem>> -> memref<1024xf32, #tpu.memory_space<vmem>>
    %dma_start3A_144 = tpu.memref_slice %arg3[%dma_start3A_134, %mul3A_2] : memref<8x32768xf32, #tpu.memory_space<hbm>> -> memref<1x1024xf32, #tpu.memory_space<hbm>>
    %dma_start3A_145 = tpu.memref_squeeze %dma_start3A_144 : memref<1x1024xf32, #tpu.memory_space<hbm>> -> memref<1024xf32, #tpu.memory_space<hbm>>
    tpu.enqueue_dma source(%dma_start3A_145 : memref<1024xf32, #tpu.memory_space<hbm>>) target(%dma_start3A_143 : memref<1024xf32, #tpu.memory_space<vmem>>) target_semaphore(%arg10 : memref<!tpu.dma_semaphore, #tpu.memory_space<semaphore_mem>>)
    %dma_start3A_146 = arith.constant 6 : i32
    %dma_start3A_147 = arith.constant 6 : i32
    %dma_start3A_148 = arith.constant 0 : i32
    %dma_start3A_149 = tpu.memref_slice %arg6[%dma_start3A_147, %dma_start3A_148] : memref<8x1024xf32, #tpu.memory_space<vmem>> -> memref<1x1024xf32, #tpu.memory_space<vmem>>
    %dma_start3A_150 = tpu.memref_squeeze %dma_start3A_149 : memref<1x1024xf32, #tpu.memory_space<vmem>> -> memref<1024xf32, #tpu.memory_space<vmem>>
    %dma_start3A_151 = tpu.memref_slice %arg2[%dma_start3A_146, %mul3A_2] : memref<8x32768xf32, #tpu.memory_space<hbm>> -> memref<1x1024xf32, #tpu.memory_space<hbm>>
    %dma_start3A_152 = tpu.memref_squeeze %dma_start3A_151 : memref<1x1024xf32, #tpu.memory_space<hbm>> -> memref<1024xf32, #tpu.memory_space<hbm>>
    %dma_start3A_153 = arith.constant 0 : i32
    %dma_start3A_154 = tpu.memref_slice %arg6[%dma_start3A_147, %dma_start3A_153] : memref<8x1024xf32, #tpu.memory_space<vmem>> -> memref<1x1024xf32, #tpu.memory_space<vmem>>
    %dma_start3A_155 = tpu.memref_squeeze %dma_start3A_154 : memref<1x1024xf32, #tpu.memory_space<vmem>> -> memref<1024xf32, #tpu.memory_space<vmem>>
    %dma_start3A_156 = tpu.memref_slice %arg2[%dma_start3A_146, %mul3A_2] : memref<8x32768xf32, #tpu.memory_space<hbm>> -> memref<1x1024xf32, #tpu.memory_space<hbm>>
    %dma_start3A_157 = tpu.memref_squeeze %dma_start3A_156 : memref<1x1024xf32, #tpu.memory_space<hbm>> -> memref<1024xf32, #tpu.memory_space<hbm>>
    tpu.enqueue_dma source(%dma_start3A_157 : memref<1024xf32, #tpu.memory_space<hbm>>) target(%dma_start3A_155 : memref<1024xf32, #tpu.memory_space<vmem>>) target_semaphore(%arg10 : memref<!tpu.dma_semaphore, #tpu.memory_space<semaphore_mem>>)
    %dma_start3A_158 = arith.constant 6 : i32
    %dma_start3A_159 = arith.constant 6 : i32
    %dma_start3A_160 = arith.constant 0 : i32
    %dma_start3A_161 = tpu.memref_slice %arg7[%dma_start3A_159, %dma_start3A_160] : memref<8x1024xf32, #tpu.memory_space<vmem>> -> memref<1x1024xf32, #tpu.memory_space<vmem>>
    %dma_start3A_162 = tpu.memref_squeeze %dma_start3A_161 : memref<1x1024xf32, #tpu.memory_space<vmem>> -> memref<1024xf32, #tpu.memory_space<vmem>>
    %dma_start3A_163 = tpu.memref_slice %arg3[%dma_start3A_158, %mul3A_2] : memref<8x32768xf32, #tpu.memory_space<hbm>> -> memref<1x1024xf32, #tpu.memory_space<hbm>>
    %dma_start3A_164 = tpu.memref_squeeze %dma_start3A_163 : memref<1x1024xf32, #tpu.memory_space<hbm>> -> memref<1024xf32, #tpu.memory_space<hbm>>
    %dma_start3A_165 = arith.constant 0 : i32
    %dma_start3A_166 = tpu.memref_slice %arg7[%dma_start3A_159, %dma_start3A_165] : memref<8x1024xf32, #tpu.memory_space<vmem>> -> memref<1x1024xf32, #tpu.memory_space<vmem>>
    %dma_start3A_167 = tpu.memref_squeeze %dma_start3A_166 : memref<1x1024xf32, #tpu.memory_space<vmem>> -> memref<1024xf32, #tpu.memory_space<vmem>>
    %dma_start3A_168 = tpu.memref_slice %arg3[%dma_start3A_158, %mul3A_2] : memref<8x32768xf32, #tpu.memory_space<hbm>> -> memref<1x1024xf32, #tpu.memory_space<hbm>>
    %dma_start3A_169 = tpu.memref_squeeze %dma_start3A_168 : memref<1x1024xf32, #tpu.memory_space<hbm>> -> memref<1024xf32, #tpu.memory_space<hbm>>
    tpu.enqueue_dma source(%dma_start3A_169 : memref<1024xf32, #tpu.memory_space<hbm>>) target(%dma_start3A_167 : memref<1024xf32, #tpu.memory_space<vmem>>) target_semaphore(%arg10 : memref<!tpu.dma_semaphore, #tpu.memory_space<semaphore_mem>>)
    %dma_start3A_170 = arith.constant 7 : i32
    %dma_start3A_171 = arith.constant 7 : i32
    %dma_start3A_172 = arith.constant 0 : i32
    %dma_start3A_173 = tpu.memref_slice %arg6[%dma_start3A_171, %dma_start3A_172] : memref<8x1024xf32, #tpu.memory_space<vmem>> -> memref<1x1024xf32, #tpu.memory_space<vmem>>
    %dma_start3A_174 = tpu.memref_squeeze %dma_start3A_173 : memref<1x1024xf32, #tpu.memory_space<vmem>> -> memref<1024xf32, #tpu.memory_space<vmem>>
    %dma_start3A_175 = tpu.memref_slice %arg2[%dma_start3A_170, %mul3A_2] : memref<8x32768xf32, #tpu.memory_space<hbm>> -> memref<1x1024xf32, #tpu.memory_space<hbm>>
    %dma_start3A_176 = tpu.memref_squeeze %dma_start3A_175 : memref<1x1024xf32, #tpu.memory_space<hbm>> -> memref<1024xf32, #tpu.memory_space<hbm>>
    %dma_start3A_177 = arith.constant 0 : i32
    %dma_start3A_178 = tpu.memref_slice %arg6[%dma_start3A_171, %dma_start3A_177] : memref<8x1024xf32, #tpu.memory_space<vmem>> -> memref<1x1024xf32, #tpu.memory_space<vmem>>
    %dma_start3A_179 = tpu.memref_squeeze %dma_start3A_178 : memref<1x1024xf32, #tpu.memory_space<vmem>> -> memref<1024xf32, #tpu.memory_space<vmem>>
    %dma_start3A_180 = tpu.memref_slice %arg2[%dma_start3A_170, %mul3A_2] : memref<8x32768xf32, #tpu.memory_space<hbm>> -> memref<1x1024xf32, #tpu.memory_space<hbm>>
    %dma_start3A_181 = tpu.memref_squeeze %dma_start3A_180 : memref<1x1024xf32, #tpu.memory_space<hbm>> -> memref<1024xf32, #tpu.memory_space<hbm>>
    tpu.enqueue_dma source(%dma_start3A_181 : memref<1024xf32, #tpu.memory_space<hbm>>) target(%dma_start3A_179 : memref<1024xf32, #tpu.memory_space<vmem>>) target_semaphore(%arg10 : memref<!tpu.dma_semaphore, #tpu.memory_space<semaphore_mem>>)
    %dma_start3A_182 = arith.constant 7 : i32
    %dma_start3A_183 = arith.constant 7 : i32
    %dma_start3A_184 = arith.constant 0 : i32
    %dma_start3A_185 = tpu.memref_slice %arg7[%dma_start3A_183, %dma_start3A_184] : memref<8x1024xf32, #tpu.memory_space<vmem>> -> memref<1x1024xf32, #tpu.memory_space<vmem>>
    %dma_start3A_186 = tpu.memref_squeeze %dma_start3A_185 : memref<1x1024xf32, #tpu.memory_space<vmem>> -> memref<1024xf32, #tpu.memory_space<vmem>>
    %dma_start3A_187 = tpu.memref_slice %arg3[%dma_start3A_182, %mul3A_2] : memref<8x32768xf32, #tpu.memory_space<hbm>> -> memref<1x1024xf32, #tpu.memory_space<hbm>>
    %dma_start3A_188 = tpu.memref_squeeze %dma_start3A_187 : memref<1x1024xf32, #tpu.memory_space<hbm>> -> memref<1024xf32, #tpu.memory_space<hbm>>
    %dma_start3A_189 = arith.constant 0 : i32
    %dma_start3A_190 = tpu.memref_slice %arg7[%dma_start3A_183, %dma_start3A_189] : memref<8x1024xf32, #tpu.memory_space<vmem>> -> memref<1x1024xf32, #tpu.memory_space<vmem>>
    %dma_start3A_191 = tpu.memref_squeeze %dma_start3A_190 : memref<1x1024xf32, #tpu.memory_space<vmem>> -> memref<1024xf32, #tpu.memory_space<vmem>>
    %dma_start3A_192 = tpu.memref_slice %arg3[%dma_start3A_182, %mul3A_2] : memref<8x32768xf32, #tpu.memory_space<hbm>> -> memref<1x1024xf32, #tpu.memory_space<hbm>>
    %dma_start3A_193 = tpu.memref_squeeze %dma_start3A_192 : memref<1x1024xf32, #tpu.memory_space<hbm>> -> memref<1024xf32, #tpu.memory_space<hbm>>
    tpu.enqueue_dma source(%dma_start3A_193 : memref<1024xf32, #tpu.memory_space<hbm>>) target(%dma_start3A_191 : memref<1024xf32, #tpu.memory_space<vmem>>) target_semaphore(%arg10 : memref<!tpu.dma_semaphore, #tpu.memory_space<semaphore_mem>>)
    %dma_wait3A = arith.constant 0 : i32
    %dma_wait3A_194 = arith.constant 0 : i32
    %dma_wait3A_195 = arith.constant 0 : i32
    %dma_wait3A_196 = tpu.memref_slice %arg6[%dma_wait3A_194, %dma_wait3A_195] : memref<8x1024xf32, #tpu.memory_space<vmem>> -> memref<1x1024xf32, #tpu.memory_space<vmem>>
    %dma_wait3A_197 = tpu.memref_squeeze %dma_wait3A_196 : memref<1x1024xf32, #tpu.memory_space<vmem>> -> memref<1024xf32, #tpu.memory_space<vmem>>
    %dma_wait3A_198 = tpu.memref_slice %arg2[%dma_wait3A, %mul3A_2] : memref<8x32768xf32, #tpu.memory_space<hbm>> -> memref<1x1024xf32, #tpu.memory_space<hbm>>
    %dma_wait3A_199 = tpu.memref_squeeze %dma_wait3A_198 : memref<1x1024xf32, #tpu.memory_space<hbm>> -> memref<1024xf32, #tpu.memory_space<hbm>>
    %dma_wait3A_200 = arith.constant 0 : i32
    %dma_wait3A_201 = tpu.memref_slice %arg6[%dma_wait3A_194, %dma_wait3A_200] : memref<8x1024xf32, #tpu.memory_space<vmem>> -> memref<1x1024xf32, #tpu.memory_space<vmem>>
    %dma_wait3A_202 = tpu.memref_squeeze %dma_wait3A_201 : memref<1x1024xf32, #tpu.memory_space<vmem>> -> memref<1024xf32, #tpu.memory_space<vmem>>
    %dma_wait3A_203 = tpu.memref_slice %arg2[%dma_wait3A, %mul3A_2] : memref<8x32768xf32, #tpu.memory_space<hbm>> -> memref<1x1024xf32, #tpu.memory_space<hbm>>
    %dma_wait3A_204 = tpu.memref_squeeze %dma_wait3A_203 : memref<1x1024xf32, #tpu.memory_space<hbm>> -> memref<1024xf32, #tpu.memory_space<hbm>>
    tpu.wait_dma2 semaphore(%arg10 : memref<!tpu.dma_semaphore, #tpu.memory_space<semaphore_mem>>) src(%dma_wait3A_204 : memref<1024xf32, #tpu.memory_space<hbm>>) dst(%dma_wait3A_202 : memref<1024xf32, #tpu.memory_space<vmem>>)
    %dma_wait3A_205 = arith.constant 0 : i32
    %dma_wait3A_206 = arith.constant 0 : i32
    %dma_wait3A_207 = arith.constant 0 : i32
    %dma_wait3A_208 = tpu.memref_slice %arg7[%dma_wait3A_206, %dma_wait3A_207] : memref<8x1024xf32, #tpu.memory_space<vmem>> -> memref<1x1024xf32, #tpu.memory_space<vmem>>
    %dma_wait3A_209 = tpu.memref_squeeze %dma_wait3A_208 : memref<1x1024xf32, #tpu.memory_space<vmem>> -> memref<1024xf32, #tpu.memory_space<vmem>>
    %dma_wait3A_210 = tpu.memref_slice %arg3[%dma_wait3A_205, %mul3A_2] : memref<8x32768xf32, #tpu.memory_space<hbm>> -> memref<1x1024xf32, #tpu.memory_space<hbm>>
    %dma_wait3A_211 = tpu.memref_squeeze %dma_wait3A_210 : memref<1x1024xf32, #tpu.memory_space<hbm>> -> memref<1024xf32, #tpu.memory_space<hbm>>
    %dma_wait3A_212 = arith.constant 0 : i32
    %dma_wait3A_213 = tpu.memref_slice %arg7[%dma_wait3A_206, %dma_wait3A_212] : memref<8x1024xf32, #tpu.memory_space<vmem>> -> memref<1x1024xf32, #tpu.memory_space<vmem>>
    %dma_wait3A_214 = tpu.memref_squeeze %dma_wait3A_213 : memref<1x1024xf32, #tpu.memory_space<vmem>> -> memref<1024xf32, #tpu.memory_space<vmem>>
    %dma_wait3A_215 = tpu.memref_slice %arg3[%dma_wait3A_205, %mul3A_2] : memref<8x32768xf32, #tpu.memory_space<hbm>> -> memref<1x1024xf32, #tpu.memory_space<hbm>>
    %dma_wait3A_216 = tpu.memref_squeeze %dma_wait3A_215 : memref<1x1024xf32, #tpu.memory_space<hbm>> -> memref<1024xf32, #tpu.memory_space<hbm>>
    tpu.wait_dma2 semaphore(%arg10 : memref<!tpu.dma_semaphore, #tpu.memory_space<semaphore_mem>>) src(%dma_wait3A_216 : memref<1024xf32, #tpu.memory_space<hbm>>) dst(%dma_wait3A_214 : memref<1024xf32, #tpu.memory_space<vmem>>)
    %dma_wait3A_217 = arith.constant 1 : i32
    %dma_wait3A_218 = arith.constant 1 : i32
    %dma_wait3A_219 = arith.constant 0 : i32
    %dma_wait3A_220 = tpu.memref_slice %arg6[%dma_wait3A_218, %dma_wait3A_219] : memref<8x1024xf32, #tpu.memory_space<vmem>> -> memref<1x1024xf32, #tpu.memory_space<vmem>>
    %dma_wait3A_221 = tpu.memref_squeeze %dma_wait3A_220 : memref<1x1024xf32, #tpu.memory_space<vmem>> -> memref<1024xf32, #tpu.memory_space<vmem>>
    %dma_wait3A_222 = tpu.memref_slice %arg2[%dma_wait3A_217, %mul3A_2] : memref<8x32768xf32, #tpu.memory_space<hbm>> -> memref<1x1024xf32, #tpu.memory_space<hbm>>
    %dma_wait3A_223 = tpu.memref_squeeze %dma_wait3A_222 : memref<1x1024xf32, #tpu.memory_space<hbm>> -> memref<1024xf32, #tpu.memory_space<hbm>>
    %dma_wait3A_224 = arith.constant 0 : i32
    %dma_wait3A_225 = tpu.memref_slice %arg6[%dma_wait3A_218, %dma_wait3A_224] : memref<8x1024xf32, #tpu.memory_space<vmem>> -> memref<1x1024xf32, #tpu.memory_space<vmem>>
    %dma_wait3A_226 = tpu.memref_squeeze %dma_wait3A_225 : memref<1x1024xf32, #tpu.memory_space<vmem>> -> memref<1024xf32, #tpu.memory_space<vmem>>
    %dma_wait3A_227 = tpu.memref_slice %arg2[%dma_wait3A_217, %mul3A_2] : memref<8x32768xf32, #tpu.memory_space<hbm>> -> memref<1x1024xf32, #tpu.memory_space<hbm>>
    %dma_wait3A_228 = tpu.memref_squeeze %dma_wait3A_227 : memref<1x1024xf32, #tpu.memory_space<hbm>> -> memref<1024xf32, #tpu.memory_space<hbm>>
    tpu.wait_dma2 semaphore(%arg10 : memref<!tpu.dma_semaphore, #tpu.memory_space<semaphore_mem>>) src(%dma_wait3A_228 : memref<1024xf32, #tpu.memory_space<hbm>>) dst(%dma_wait3A_226 : memref<1024xf32, #tpu.memory_space<vmem>>)
    %dma_wait3A_229 = arith.constant 1 : i32
    %dma_wait3A_230 = arith.constant 1 : i32
    %dma_wait3A_231 = arith.constant 0 : i32
    %dma_wait3A_232 = tpu.memref_slice %arg7[%dma_wait3A_230, %dma_wait3A_231] : memref<8x1024xf32, #tpu.memory_space<vmem>> -> memref<1x1024xf32, #tpu.memory_space<vmem>>
    %dma_wait3A_233 = tpu.memref_squeeze %dma_wait3A_232 : memref<1x1024xf32, #tpu.memory_space<vmem>> -> memref<1024xf32, #tpu.memory_space<vmem>>
    %dma_wait3A_234 = tpu.memref_slice %arg3[%dma_wait3A_229, %mul3A_2] : memref<8x32768xf32, #tpu.memory_space<hbm>> -> memref<1x1024xf32, #tpu.memory_space<hbm>>
    %dma_wait3A_235 = tpu.memref_squeeze %dma_wait3A_234 : memref<1x1024xf32, #tpu.memory_space<hbm>> -> memref<1024xf32, #tpu.memory_space<hbm>>
    %dma_wait3A_236 = arith.constant 0 : i32
    %dma_wait3A_237 = tpu.memref_slice %arg7[%dma_wait3A_230, %dma_wait3A_236] : memref<8x1024xf32, #tpu.memory_space<vmem>> -> memref<1x1024xf32, #tpu.memory_space<vmem>>
    %dma_wait3A_238 = tpu.memref_squeeze %dma_wait3A_237 : memref<1x1024xf32, #tpu.memory_space<vmem>> -> memref<1024xf32, #tpu.memory_space<vmem>>
    %dma_wait3A_239 = tpu.memref_slice %arg3[%dma_wait3A_229, %mul3A_2] : memref<8x32768xf32, #tpu.memory_space<hbm>> -> memref<1x1024xf32, #tpu.memory_space<hbm>>
    %dma_wait3A_240 = tpu.memref_squeeze %dma_wait3A_239 : memref<1x1024xf32, #tpu.memory_space<hbm>> -> memref<1024xf32, #tpu.memory_space<hbm>>
    tpu.wait_dma2 semaphore(%arg10 : memref<!tpu.dma_semaphore, #tpu.memory_space<semaphore_mem>>) src(%dma_wait3A_240 : memref<1024xf32, #tpu.memory_space<hbm>>) dst(%dma_wait3A_238 : memref<1024xf32, #tpu.memory_space<vmem>>)
    %dma_wait3A_241 = arith.constant 2 : i32
    %dma_wait3A_242 = arith.constant 2 : i32
    %dma_wait3A_243 = arith.constant 0 : i32
    %dma_wait3A_244 = tpu.memref_slice %arg6[%dma_wait3A_242, %dma_wait3A_243] : memref<8x1024xf32, #tpu.memory_space<vmem>> -> memref<1x1024xf32, #tpu.memory_space<vmem>>
    %dma_wait3A_245 = tpu.memref_squeeze %dma_wait3A_244 : memref<1x1024xf32, #tpu.memory_space<vmem>> -> memref<1024xf32, #tpu.memory_space<vmem>>
    %dma_wait3A_246 = tpu.memref_slice %arg2[%dma_wait3A_241, %mul3A_2] : memref<8x32768xf32, #tpu.memory_space<hbm>> -> memref<1x1024xf32, #tpu.memory_space<hbm>>
    %dma_wait3A_247 = tpu.memref_squeeze %dma_wait3A_246 : memref<1x1024xf32, #tpu.memory_space<hbm>> -> memref<1024xf32, #tpu.memory_space<hbm>>
    %dma_wait3A_248 = arith.constant 0 : i32
    %dma_wait3A_249 = tpu.memref_slice %arg6[%dma_wait3A_242, %dma_wait3A_248] : memref<8x1024xf32, #tpu.memory_space<vmem>> -> memref<1x1024xf32, #tpu.memory_space<vmem>>
    %dma_wait3A_250 = tpu.memref_squeeze %dma_wait3A_249 : memref<1x1024xf32, #tpu.memory_space<vmem>> -> memref<1024xf32, #tpu.memory_space<vmem>>
    %dma_wait3A_251 = tpu.memref_slice %arg2[%dma_wait3A_241, %mul3A_2] : memref<8x32768xf32, #tpu.memory_space<hbm>> -> memref<1x1024xf32, #tpu.memory_space<hbm>>
    %dma_wait3A_252 = tpu.memref_squeeze %dma_wait3A_251 : memref<1x1024xf32, #tpu.memory_space<hbm>> -> memref<1024xf32, #tpu.memory_space<hbm>>
    tpu.wait_dma2 semaphore(%arg10 : memref<!tpu.dma_semaphore, #tpu.memory_space<semaphore_mem>>) src(%dma_wait3A_252 : memref<1024xf32, #tpu.memory_space<hbm>>) dst(%dma_wait3A_250 : memref<1024xf32, #tpu.memory_space<vmem>>)
    %dma_wait3A_253 = arith.constant 2 : i32
    %dma_wait3A_254 = arith.constant 2 : i32
    %dma_wait3A_255 = arith.constant 0 : i32
    %dma_wait3A_256 = tpu.memref_slice %arg7[%dma_wait3A_254, %dma_wait3A_255] : memref<8x1024xf32, #tpu.memory_space<vmem>> -> memref<1x1024xf32, #tpu.memory_space<vmem>>
    %dma_wait3A_257 = tpu.memref_squeeze %dma_wait3A_256 : memref<1x1024xf32, #tpu.memory_space<vmem>> -> memref<1024xf32, #tpu.memory_space<vmem>>
    %dma_wait3A_258 = tpu.memref_slice %arg3[%dma_wait3A_253, %mul3A_2] : memref<8x32768xf32, #tpu.memory_space<hbm>> -> memref<1x1024xf32, #tpu.memory_space<hbm>>
    %dma_wait3A_259 = tpu.memref_squeeze %dma_wait3A_258 : memref<1x1024xf32, #tpu.memory_space<hbm>> -> memref<1024xf32, #tpu.memory_space<hbm>>
    %dma_wait3A_260 = arith.constant 0 : i32
    %dma_wait3A_261 = tpu.memref_slice %arg7[%dma_wait3A_254, %dma_wait3A_260] : memref<8x1024xf32, #tpu.memory_space<vmem>> -> memref<1x1024xf32, #tpu.memory_space<vmem>>
    %dma_wait3A_262 = tpu.memref_squeeze %dma_wait3A_261 : memref<1x1024xf32, #tpu.memory_space<vmem>> -> memref<1024xf32, #tpu.memory_space<vmem>>
    %dma_wait3A_263 = tpu.memref_slice %arg3[%dma_wait3A_253, %mul3A_2] : memref<8x32768xf32, #tpu.memory_space<hbm>> -> memref<1x1024xf32, #tpu.memory_space<hbm>>
    %dma_wait3A_264 = tpu.memref_squeeze %dma_wait3A_263 : memref<1x1024xf32, #tpu.memory_space<hbm>> -> memref<1024xf32, #tpu.memory_space<hbm>>
    tpu.wait_dma2 semaphore(%arg10 : memref<!tpu.dma_semaphore, #tpu.memory_space<semaphore_mem>>) src(%dma_wait3A_264 : memref<1024xf32, #tpu.memory_space<hbm>>) dst(%dma_wait3A_262 : memref<1024xf32, #tpu.memory_space<vmem>>)
    %dma_wait3A_265 = arith.constant 3 : i32
    %dma_wait3A_266 = arith.constant 3 : i32
    %dma_wait3A_267 = arith.constant 0 : i32
    %dma_wait3A_268 = tpu.memref_slice %arg6[%dma_wait3A_266, %dma_wait3A_267] : memref<8x1024xf32, #tpu.memory_space<vmem>> -> memref<1x1024xf32, #tpu.memory_space<vmem>>
    %dma_wait3A_269 = tpu.memref_squeeze %dma_wait3A_268 : memref<1x1024xf32, #tpu.memory_space<vmem>> -> memref<1024xf32, #tpu.memory_space<vmem>>
    %dma_wait3A_270 = tpu.memref_slice %arg2[%dma_wait3A_265, %mul3A_2] : memref<8x32768xf32, #tpu.memory_space<hbm>> -> memref<1x1024xf32, #tpu.memory_space<hbm>>
    %dma_wait3A_271 = tpu.memref_squeeze %dma_wait3A_270 : memref<1x1024xf32, #tpu.memory_space<hbm>> -> memref<1024xf32, #tpu.memory_space<hbm>>
    %dma_wait3A_272 = arith.constant 0 : i32
    %dma_wait3A_273 = tpu.memref_slice %arg6[%dma_wait3A_266, %dma_wait3A_272] : memref<8x1024xf32, #tpu.memory_space<vmem>> -> memref<1x1024xf32, #tpu.memory_space<vmem>>
    %dma_wait3A_274 = tpu.memref_squeeze %dma_wait3A_273 : memref<1x1024xf32, #tpu.memory_space<vmem>> -> memref<1024xf32, #tpu.memory_space<vmem>>
    %dma_wait3A_275 = tpu.memref_slice %arg2[%dma_wait3A_265, %mul3A_2] : memref<8x32768xf32, #tpu.memory_space<hbm>> -> memref<1x1024xf32, #tpu.memory_space<hbm>>
    %dma_wait3A_276 = tpu.memref_squeeze %dma_wait3A_275 : memref<1x1024xf32, #tpu.memory_space<hbm>> -> memref<1024xf32, #tpu.memory_space<hbm>>
    tpu.wait_dma2 semaphore(%arg10 : memref<!tpu.dma_semaphore, #tpu.memory_space<semaphore_mem>>) src(%dma_wait3A_276 : memref<1024xf32, #tpu.memory_space<hbm>>) dst(%dma_wait3A_274 : memref<1024xf32, #tpu.memory_space<vmem>>)
    %dma_wait3A_277 = arith.constant 3 : i32
    %dma_wait3A_278 = arith.constant 3 : i32
    %dma_wait3A_279 = arith.constant 0 : i32
    %dma_wait3A_280 = tpu.memref_slice %arg7[%dma_wait3A_278, %dma_wait3A_279] : memref<8x1024xf32, #tpu.memory_space<vmem>> -> memref<1x1024xf32, #tpu.memory_space<vmem>>
    %dma_wait3A_281 = tpu.memref_squeeze %dma_wait3A_280 : memref<1x1024xf32, #tpu.memory_space<vmem>> -> memref<1024xf32, #tpu.memory_space<vmem>>
    %dma_wait3A_282 = tpu.memref_slice %arg3[%dma_wait3A_277, %mul3A_2] : memref<8x32768xf32, #tpu.memory_space<hbm>> -> memref<1x1024xf32, #tpu.memory_space<hbm>>
    %dma_wait3A_283 = tpu.memref_squeeze %dma_wait3A_282 : memref<1x1024xf32, #tpu.memory_space<hbm>> -> memref<1024xf32, #tpu.memory_space<hbm>>
    %dma_wait3A_284 = arith.constant 0 : i32
    %dma_wait3A_285 = tpu.memref_slice %arg7[%dma_wait3A_278, %dma_wait3A_284] : memref<8x1024xf32, #tpu.memory_space<vmem>> -> memref<1x1024xf32, #tpu.memory_space<vmem>>
    %dma_wait3A_286 = tpu.memref_squeeze %dma_wait3A_285 : memref<1x1024xf32, #tpu.memory_space<vmem>> -> memref<1024xf32, #tpu.memory_space<vmem>>
    %dma_wait3A_287 = tpu.memref_slice %arg3[%dma_wait3A_277, %mul3A_2] : memref<8x32768xf32, #tpu.memory_space<hbm>> -> memref<1x1024xf32, #tpu.memory_space<hbm>>
    %dma_wait3A_288 = tpu.memref_squeeze %dma_wait3A_287 : memref<1x1024xf32, #tpu.memory_space<hbm>> -> memref<1024xf32, #tpu.memory_space<hbm>>
    tpu.wait_dma2 semaphore(%arg10 : memref<!tpu.dma_semaphore, #tpu.memory_space<semaphore_mem>>) src(%dma_wait3A_288 : memref<1024xf32, #tpu.memory_space<hbm>>) dst(%dma_wait3A_286 : memref<1024xf32, #tpu.memory_space<vmem>>)
    %dma_wait3A_289 = arith.constant 4 : i32
    %dma_wait3A_290 = arith.constant 4 : i32
    %dma_wait3A_291 = arith.constant 0 : i32
    %dma_wait3A_292 = tpu.memref_slice %arg6[%dma_wait3A_290, %dma_wait3A_291] : memref<8x1024xf32, #tpu.memory_space<vmem>> -> memref<1x1024xf32, #tpu.memory_space<vmem>>
    %dma_wait3A_293 = tpu.memref_squeeze %dma_wait3A_292 : memref<1x1024xf32, #tpu.memory_space<vmem>> -> memref<1024xf32, #tpu.memory_space<vmem>>
    %dma_wait3A_294 = tpu.memref_slice %arg2[%dma_wait3A_289, %mul3A_2] : memref<8x32768xf32, #tpu.memory_space<hbm>> -> memref<1x1024xf32, #tpu.memory_space<hbm>>
    %dma_wait3A_295 = tpu.memref_squeeze %dma_wait3A_294 : memref<1x1024xf32, #tpu.memory_space<hbm>> -> memref<1024xf32, #tpu.memory_space<hbm>>
    %dma_wait3A_296 = arith.constant 0 : i32
    %dma_wait3A_297 = tpu.memref_slice %arg6[%dma_wait3A_290, %dma_wait3A_296] : memref<8x1024xf32, #tpu.memory_space<vmem>> -> memref<1x1024xf32, #tpu.memory_space<vmem>>
    %dma_wait3A_298 = tpu.memref_squeeze %dma_wait3A_297 : memref<1x1024xf32, #tpu.memory_space<vmem>> -> memref<1024xf32, #tpu.memory_space<vmem>>
    %dma_wait3A_299 = tpu.memref_slice %arg2[%dma_wait3A_289, %mul3A_2] : memref<8x32768xf32, #tpu.memory_space<hbm>> -> memref<1x1024xf32, #tpu.memory_space<hbm>>
    %dma_wait3A_300 = tpu.memref_squeeze %dma_wait3A_299 : memref<1x1024xf32, #tpu.memory_space<hbm>> -> memref<1024xf32, #tpu.memory_space<hbm>>
    tpu.wait_dma2 semaphore(%arg10 : memref<!tpu.dma_semaphore, #tpu.memory_space<semaphore_mem>>) src(%dma_wait3A_300 : memref<1024xf32, #tpu.memory_space<hbm>>) dst(%dma_wait3A_298 : memref<1024xf32, #tpu.memory_space<vmem>>)
    %dma_wait3A_301 = arith.constant 4 : i32
    %dma_wait3A_302 = arith.constant 4 : i32
    %dma_wait3A_303 = arith.constant 0 : i32
    %dma_wait3A_304 = tpu.memref_slice %arg7[%dma_wait3A_302, %dma_wait3A_303] : memref<8x1024xf32, #tpu.memory_space<vmem>> -> memref<1x1024xf32, #tpu.memory_space<vmem>>
    %dma_wait3A_305 = tpu.memref_squeeze %dma_wait3A_304 : memref<1x1024xf32, #tpu.memory_space<vmem>> -> memref<1024xf32, #tpu.memory_space<vmem>>
    %dma_wait3A_306 = tpu.memref_slice %arg3[%dma_wait3A_301, %mul3A_2] : memref<8x32768xf32, #tpu.memory_space<hbm>> -> memref<1x1024xf32, #tpu.memory_space<hbm>>
    %dma_wait3A_307 = tpu.memref_squeeze %dma_wait3A_306 : memref<1x1024xf32, #tpu.memory_space<hbm>> -> memref<1024xf32, #tpu.memory_space<hbm>>
    %dma_wait3A_308 = arith.constant 0 : i32
    %dma_wait3A_309 = tpu.memref_slice %arg7[%dma_wait3A_302, %dma_wait3A_308] : memref<8x1024xf32, #tpu.memory_space<vmem>> -> memref<1x1024xf32, #tpu.memory_space<vmem>>
    %dma_wait3A_310 = tpu.memref_squeeze %dma_wait3A_309 : memref<1x1024xf32, #tpu.memory_space<vmem>> -> memref<1024xf32, #tpu.memory_space<vmem>>
    %dma_wait3A_311 = tpu.memref_slice %arg3[%dma_wait3A_301, %mul3A_2] : memref<8x32768xf32, #tpu.memory_space<hbm>> -> memref<1x1024xf32, #tpu.memory_space<hbm>>
    %dma_wait3A_312 = tpu.memref_squeeze %dma_wait3A_311 : memref<1x1024xf32, #tpu.memory_space<hbm>> -> memref<1024xf32, #tpu.memory_space<hbm>>
    tpu.wait_dma2 semaphore(%arg10 : memref<!tpu.dma_semaphore, #tpu.memory_space<semaphore_mem>>) src(%dma_wait3A_312 : memref<1024xf32, #tpu.memory_space<hbm>>) dst(%dma_wait3A_310 : memref<1024xf32, #tpu.memory_space<vmem>>)
    %dma_wait3A_313 = arith.constant 5 : i32
    %dma_wait3A_314 = arith.constant 5 : i32
    %dma_wait3A_315 = arith.constant 0 : i32
    %dma_wait3A_316 = tpu.memref_slice %arg6[%dma_wait3A_314, %dma_wait3A_315] : memref<8x1024xf32, #tpu.memory_space<vmem>> -> memref<1x1024xf32, #tpu.memory_space<vmem>>
    %dma_wait3A_317 = tpu.memref_squeeze %dma_wait3A_316 : memref<1x1024xf32, #tpu.memory_space<vmem>> -> memref<1024xf32, #tpu.memory_space<vmem>>
    %dma_wait3A_318 = tpu.memref_slice %arg2[%dma_wait3A_313, %mul3A_2] : memref<8x32768xf32, #tpu.memory_space<hbm>> -> memref<1x1024xf32, #tpu.memory_space<hbm>>
    %dma_wait3A_319 = tpu.memref_squeeze %dma_wait3A_318 : memref<1x1024xf32, #tpu.memory_space<hbm>> -> memref<1024xf32, #tpu.memory_space<hbm>>
    %dma_wait3A_320 = arith.constant 0 : i32
    %dma_wait3A_321 = tpu.memref_slice %arg6[%dma_wait3A_314, %dma_wait3A_320] : memref<8x1024xf32, #tpu.memory_space<vmem>> -> memref<1x1024xf32, #tpu.memory_space<vmem>>
    %dma_wait3A_322 = tpu.memref_squeeze %dma_wait3A_321 : memref<1x1024xf32, #tpu.memory_space<vmem>> -> memref<1024xf32, #tpu.memory_space<vmem>>
    %dma_wait3A_323 = tpu.memref_slice %arg2[%dma_wait3A_313, %mul3A_2] : memref<8x32768xf32, #tpu.memory_space<hbm>> -> memref<1x1024xf32, #tpu.memory_space<hbm>>
    %dma_wait3A_324 = tpu.memref_squeeze %dma_wait3A_323 : memref<1x1024xf32, #tpu.memory_space<hbm>> -> memref<1024xf32, #tpu.memory_space<hbm>>
    tpu.wait_dma2 semaphore(%arg10 : memref<!tpu.dma_semaphore, #tpu.memory_space<semaphore_mem>>) src(%dma_wait3A_324 : memref<1024xf32, #tpu.memory_space<hbm>>) dst(%dma_wait3A_322 : memref<1024xf32, #tpu.memory_space<vmem>>)
    %dma_wait3A_325 = arith.constant 5 : i32
    %dma_wait3A_326 = arith.constant 5 : i32
    %dma_wait3A_327 = arith.constant 0 : i32
    %dma_wait3A_328 = tpu.memref_slice %arg7[%dma_wait3A_326, %dma_wait3A_327] : memref<8x1024xf32, #tpu.memory_space<vmem>> -> memref<1x1024xf32, #tpu.memory_space<vmem>>
    %dma_wait3A_329 = tpu.memref_squeeze %dma_wait3A_328 : memref<1x1024xf32, #tpu.memory_space<vmem>> -> memref<1024xf32, #tpu.memory_space<vmem>>
    %dma_wait3A_330 = tpu.memref_slice %arg3[%dma_wait3A_325, %mul3A_2] : memref<8x32768xf32, #tpu.memory_space<hbm>> -> memref<1x1024xf32, #tpu.memory_space<hbm>>
    %dma_wait3A_331 = tpu.memref_squeeze %dma_wait3A_330 : memref<1x1024xf32, #tpu.memory_space<hbm>> -> memref<1024xf32, #tpu.memory_space<hbm>>
    %dma_wait3A_332 = arith.constant 0 : i32
    %dma_wait3A_333 = tpu.memref_slice %arg7[%dma_wait3A_326, %dma_wait3A_332] : memref<8x1024xf32, #tpu.memory_space<vmem>> -> memref<1x1024xf32, #tpu.memory_space<vmem>>
    %dma_wait3A_334 = tpu.memref_squeeze %dma_wait3A_333 : memref<1x1024xf32, #tpu.memory_space<vmem>> -> memref<1024xf32, #tpu.memory_space<vmem>>
    %dma_wait3A_335 = tpu.memref_slice %arg3[%dma_wait3A_325, %mul3A_2] : memref<8x32768xf32, #tpu.memory_space<hbm>> -> memref<1x1024xf32, #tpu.memory_space<hbm>>
    %dma_wait3A_336 = tpu.memref_squeeze %dma_wait3A_335 : memref<1x1024xf32, #tpu.memory_space<hbm>> -> memref<1024xf32, #tpu.memory_space<hbm>>
    tpu.wait_dma2 semaphore(%arg10 : memref<!tpu.dma_semaphore, #tpu.memory_space<semaphore_mem>>) src(%dma_wait3A_336 : memref<1024xf32, #tpu.memory_space<hbm>>) dst(%dma_wait3A_334 : memref<1024xf32, #tpu.memory_space<vmem>>)
    %dma_wait3A_337 = arith.constant 6 : i32
    %dma_wait3A_338 = arith.constant 6 : i32
    %dma_wait3A_339 = arith.constant 0 : i32
    %dma_wait3A_340 = tpu.memref_slice %arg6[%dma_wait3A_338, %dma_wait3A_339] : memref<8x1024xf32, #tpu.memory_space<vmem>> -> memref<1x1024xf32, #tpu.memory_space<vmem>>
    %dma_wait3A_341 = tpu.memref_squeeze %dma_wait3A_340 : memref<1x1024xf32, #tpu.memory_space<vmem>> -> memref<1024xf32, #tpu.memory_space<vmem>>
    %dma_wait3A_342 = tpu.memref_slice %arg2[%dma_wait3A_337, %mul3A_2] : memref<8x32768xf32, #tpu.memory_space<hbm>> -> memref<1x1024xf32, #tpu.memory_space<hbm>>
    %dma_wait3A_343 = tpu.memref_squeeze %dma_wait3A_342 : memref<1x1024xf32, #tpu.memory_space<hbm>> -> memref<1024xf32, #tpu.memory_space<hbm>>
    %dma_wait3A_344 = arith.constant 0 : i32
    %dma_wait3A_345 = tpu.memref_slice %arg6[%dma_wait3A_338, %dma_wait3A_344] : memref<8x1024xf32, #tpu.memory_space<vmem>> -> memref<1x1024xf32, #tpu.memory_space<vmem>>
    %dma_wait3A_346 = tpu.memref_squeeze %dma_wait3A_345 : memref<1x1024xf32, #tpu.memory_space<vmem>> -> memref<1024xf32, #tpu.memory_space<vmem>>
    %dma_wait3A_347 = tpu.memref_slice %arg2[%dma_wait3A_337, %mul3A_2] : memref<8x32768xf32, #tpu.memory_space<hbm>> -> memref<1x1024xf32, #tpu.memory_space<hbm>>
    %dma_wait3A_348 = tpu.memref_squeeze %dma_wait3A_347 : memref<1x1024xf32, #tpu.memory_space<hbm>> -> memref<1024xf32, #tpu.memory_space<hbm>>
    tpu.wait_dma2 semaphore(%arg10 : memref<!tpu.dma_semaphore, #tpu.memory_space<semaphore_mem>>) src(%dma_wait3A_348 : memref<1024xf32, #tpu.memory_space<hbm>>) dst(%dma_wait3A_346 : memref<1024xf32, #tpu.memory_space<vmem>>)
    %dma_wait3A_349 = arith.constant 6 : i32
    %dma_wait3A_350 = arith.constant 6 : i32
    %dma_wait3A_351 = arith.constant 0 : i32
    %dma_wait3A_352 = tpu.memref_slice %arg7[%dma_wait3A_350, %dma_wait3A_351] : memref<8x1024xf32, #tpu.memory_space<vmem>> -> memref<1x1024xf32, #tpu.memory_space<vmem>>
    %dma_wait3A_353 = tpu.memref_squeeze %dma_wait3A_352 : memref<1x1024xf32, #tpu.memory_space<vmem>> -> memref<1024xf32, #tpu.memory_space<vmem>>
    %dma_wait3A_354 = tpu.memref_slice %arg3[%dma_wait3A_349, %mul3A_2] : memref<8x32768xf32, #tpu.memory_space<hbm>> -> memref<1x1024xf32, #tpu.memory_space<hbm>>
    %dma_wait3A_355 = tpu.memref_squeeze %dma_wait3A_354 : memref<1x1024xf32, #tpu.memory_space<hbm>> -> memref<1024xf32, #tpu.memory_space<hbm>>
    %dma_wait3A_356 = arith.constant 0 : i32
    %dma_wait3A_357 = tpu.memref_slice %arg7[%dma_wait3A_350, %dma_wait3A_356] : memref<8x1024xf32, #tpu.memory_space<vmem>> -> memref<1x1024xf32, #tpu.memory_space<vmem>>
    %dma_wait3A_358 = tpu.memref_squeeze %dma_wait3A_357 : memref<1x1024xf32, #tpu.memory_space<vmem>> -> memref<1024xf32, #tpu.memory_space<vmem>>
    %dma_wait3A_359 = tpu.memref_slice %arg3[%dma_wait3A_349, %mul3A_2] : memref<8x32768xf32, #tpu.memory_space<hbm>> -> memref<1x1024xf32, #tpu.memory_space<hbm>>
    %dma_wait3A_360 = tpu.memref_squeeze %dma_wait3A_359 : memref<1x1024xf32, #tpu.memory_space<hbm>> -> memref<1024xf32, #tpu.memory_space<hbm>>
    tpu.wait_dma2 semaphore(%arg10 : memref<!tpu.dma_semaphore, #tpu.memory_space<semaphore_mem>>) src(%dma_wait3A_360 : memref<1024xf32, #tpu.memory_space<hbm>>) dst(%dma_wait3A_358 : memref<1024xf32, #tpu.memory_space<vmem>>)
    %dma_wait3A_361 = arith.constant 7 : i32
    %dma_wait3A_362 = arith.constant 7 : i32
    %dma_wait3A_363 = arith.constant 0 : i32
    %dma_wait3A_364 = tpu.memref_slice %arg6[%dma_wait3A_362, %dma_wait3A_363] : memref<8x1024xf32, #tpu.memory_space<vmem>> -> memref<1x1024xf32, #tpu.memory_space<vmem>>
    %dma_wait3A_365 = tpu.memref_squeeze %dma_wait3A_364 : memref<1x1024xf32, #tpu.memory_space<vmem>> -> memref<1024xf32, #tpu.memory_space<vmem>>
    %dma_wait3A_366 = tpu.memref_slice %arg2[%dma_wait3A_361, %mul3A_2] : memref<8x32768xf32, #tpu.memory_space<hbm>> -> memref<1x1024xf32, #tpu.memory_space<hbm>>
    %dma_wait3A_367 = tpu.memref_squeeze %dma_wait3A_366 : memref<1x1024xf32, #tpu.memory_space<hbm>> -> memref<1024xf32, #tpu.memory_space<hbm>>
    %dma_wait3A_368 = arith.constant 0 : i32
    %dma_wait3A_369 = tpu.memref_slice %arg6[%dma_wait3A_362, %dma_wait3A_368] : memref<8x1024xf32, #tpu.memory_space<vmem>> -> memref<1x1024xf32, #tpu.memory_space<vmem>>
    %dma_wait3A_370 = tpu.memref_squeeze %dma_wait3A_369 : memref<1x1024xf32, #tpu.memory_space<vmem>> -> memref<1024xf32, #tpu.memory_space<vmem>>
    %dma_wait3A_371 = tpu.memref_slice %arg2[%dma_wait3A_361, %mul3A_2] : memref<8x32768xf32, #tpu.memory_space<hbm>> -> memref<1x1024xf32, #tpu.memory_space<hbm>>
    %dma_wait3A_372 = tpu.memref_squeeze %dma_wait3A_371 : memref<1x1024xf32, #tpu.memory_space<hbm>> -> memref<1024xf32, #tpu.memory_space<hbm>>
    tpu.wait_dma2 semaphore(%arg10 : memref<!tpu.dma_semaphore, #tpu.memory_space<semaphore_mem>>) src(%dma_wait3A_372 : memref<1024xf32, #tpu.memory_space<hbm>>) dst(%dma_wait3A_370 : memref<1024xf32, #tpu.memory_space<vmem>>)
    %dma_wait3A_373 = arith.constant 7 : i32
    %dma_wait3A_374 = arith.constant 7 : i32
    %dma_wait3A_375 = arith.constant 0 : i32
    %dma_wait3A_376 = tpu.memref_slice %arg7[%dma_wait3A_374, %dma_wait3A_375] : memref<8x1024xf32, #tpu.memory_space<vmem>> -> memref<1x1024xf32, #tpu.memory_space<vmem>>
    %dma_wait3A_377 = tpu.memref_squeeze %dma_wait3A_376 : memref<1x1024xf32, #tpu.memory_space<vmem>> -> memref<1024xf32, #tpu.memory_space<vmem>>
    %dma_wait3A_378 = tpu.memref_slice %arg3[%dma_wait3A_373, %mul3A_2] : memref<8x32768xf32, #tpu.memory_space<hbm>> -> memref<1x1024xf32, #tpu.memory_space<hbm>>
    %dma_wait3A_379 = tpu.memref_squeeze %dma_wait3A_378 : memref<1x1024xf32, #tpu.memory_space<hbm>> -> memref<1024xf32, #tpu.memory_space<hbm>>
    %dma_wait3A_380 = arith.constant 0 : i32
    %dma_wait3A_381 = tpu.memref_slice %arg7[%dma_wait3A_374, %dma_wait3A_380] : memref<8x1024xf32, #tpu.memory_space<vmem>> -> memref<1x1024xf32, #tpu.memory_space<vmem>>
    %dma_wait3A_382 = tpu.memref_squeeze %dma_wait3A_381 : memref<1x1024xf32, #tpu.memory_space<vmem>> -> memref<1024xf32, #tpu.memory_space<vmem>>
    %dma_wait3A_383 = tpu.memref_slice %arg3[%dma_wait3A_373, %mul3A_2] : memref<8x32768xf32, #tpu.memory_space<hbm>> -> memref<1x1024xf32, #tpu.memory_space<hbm>>
    %dma_wait3A_384 = tpu.memref_squeeze %dma_wait3A_383 : memref<1x1024xf32, #tpu.memory_space<hbm>> -> memref<1024xf32, #tpu.memory_space<hbm>>
    tpu.wait_dma2 semaphore(%arg10 : memref<!tpu.dma_semaphore, #tpu.memory_space<semaphore_mem>>) src(%dma_wait3A_384 : memref<1024xf32, #tpu.memory_space<hbm>>) dst(%dma_wait3A_382 : memref<1024xf32, #tpu.memory_space<vmem>>)
    %iota3A = tpu.iota {dimensions = array<i32: 0>} : vector<16xi32>
    %scan3A = arith.constant 0 : i32
    %scan3A_385 = arith.constant 0 : i32
    %scan3A_386 = arith.constant 64 : i32
    %scan3A_387 = arith.addi %scan3A_385, %scan3A_386 : i32
    %scan3A_388 = arith.constant 1 : i32
    scf.for %scan3A_402 = %scan3A_385 to %scan3A_387 step %scan3A_388  : i32 {
      %mul3A_403 = arith.constant 16 : i32
      %mul3A_404 = arith.muli %scan3A_402, %mul3A_403 : i32
      %get3A = arith.constant 0 : i32
      %get3A_405 = arith.index_cast %get3A : i32 to index
      %get3A_406 = arith.index_cast %mul3A_404 : i32 to index
      %get3A_407 = tpu.vector_load %arg6[%get3A_405, %get3A_406] {strides = array<i32>} : memref<8x1024xf32, #tpu.memory_space<vmem>>, vector<16xf32>,
      %get3A_408 = arith.constant 1 : i32
      %get3A_409 = arith.index_cast %get3A_408 : i32 to index
      %get3A_410 = arith.index_cast %mul3A_404 : i32 to index
      %get3A_411 = tpu.vector_load %arg6[%get3A_409, %get3A_410] {strides = array<i32>} : memref<8x1024xf32, #tpu.memory_space<vmem>>, vector<16xf32>,
      %get3A_412 = arith.constant 2 : i32
      %get3A_413 = arith.index_cast %get3A_412 : i32 to index
      %get3A_414 = arith.index_cast %mul3A_404 : i32 to index
      %get3A_415 = tpu.vector_load %arg6[%get3A_413, %get3A_414] {strides = array<i32>} : memref<8x1024xf32, #tpu.memory_space<vmem>>, vector<16xf32>,
      %get3A_416 = arith.constant 3 : i32
      %get3A_417 = arith.index_cast %get3A_416 : i32 to index
      %get3A_418 = arith.index_cast %mul3A_404 : i32 to index
      %get3A_419 = tpu.vector_load %arg6[%get3A_417, %get3A_418] {strides = array<i32>} : memref<8x1024xf32, #tpu.memory_space<vmem>>, vector<16xf32>,
      %get3A_420 = arith.constant 4 : i32
      %get3A_421 = arith.index_cast %get3A_420 : i32 to index
      %get3A_422 = arith.index_cast %mul3A_404 : i32 to index
      %get3A_423 = tpu.vector_load %arg6[%get3A_421, %get3A_422] {strides = array<i32>} : memref<8x1024xf32, #tpu.memory_space<vmem>>, vector<16xf32>,
      %get3A_424 = arith.constant 5 : i32
      %get3A_425 = arith.index_cast %get3A_424 : i32 to index
      %get3A_426 = arith.index_cast %mul3A_404 : i32 to index
      %get3A_427 = tpu.vector_load %arg6[%get3A_425, %get3A_426] {strides = array<i32>} : memref<8x1024xf32, #tpu.memory_space<vmem>>, vector<16xf32>,
      %get3A_428 = arith.constant 6 : i32
      %get3A_429 = arith.index_cast %get3A_428 : i32 to index
      %get3A_430 = arith.index_cast %mul3A_404 : i32 to index
      %get3A_431 = tpu.vector_load %arg6[%get3A_429, %get3A_430] {strides = array<i32>} : memref<8x1024xf32, #tpu.memory_space<vmem>>, vector<16xf32>,
      %get3A_432 = arith.constant 7 : i32
      %get3A_433 = arith.index_cast %get3A_432 : i32 to index
      %get3A_434 = arith.index_cast %mul3A_404 : i32 to index
      %get3A_435 = tpu.vector_load %arg6[%get3A_433, %get3A_434] {strides = array<i32>} : memref<8x1024xf32, #tpu.memory_space<vmem>>, vector<16xf32>,
      %get3A_436 = arith.constant 0 : i32
      %get3A_437 = arith.index_cast %get3A_436 : i32 to index
      %get3A_438 = arith.index_cast %mul3A_404 : i32 to index
      %get3A_439 = tpu.vector_load %arg7[%get3A_437, %get3A_438] {strides = array<i32>} : memref<8x1024xf32, #tpu.memory_space<vmem>>, vector<16xf32>,
      %get3A_440 = arith.constant 1 : i32
      %get3A_441 = arith.index_cast %get3A_440 : i32 to index
      %get3A_442 = arith.index_cast %mul3A_404 : i32 to index
      %get3A_443 = tpu.vector_load %arg7[%get3A_441, %get3A_442] {strides = array<i32>} : memref<8x1024xf32, #tpu.memory_space<vmem>>, vector<16xf32>,
      %get3A_444 = arith.constant 2 : i32
      %get3A_445 = arith.index_cast %get3A_444 : i32 to index
      %get3A_446 = arith.index_cast %mul3A_404 : i32 to index
      %get3A_447 = tpu.vector_load %arg7[%get3A_445, %get3A_446] {strides = array<i32>} : memref<8x1024xf32, #tpu.memory_space<vmem>>, vector<16xf32>,
      %get3A_448 = arith.constant 3 : i32
      %get3A_449 = arith.index_cast %get3A_448 : i32 to index
      %get3A_450 = arith.index_cast %mul3A_404 : i32 to index
      %get3A_451 = tpu.vector_load %arg7[%get3A_449, %get3A_450] {strides = array<i32>} : memref<8x1024xf32, #tpu.memory_space<vmem>>, vector<16xf32>,
      %get3A_452 = arith.constant 4 : i32
      %get3A_453 = arith.index_cast %get3A_452 : i32 to index
      %get3A_454 = arith.index_cast %mul3A_404 : i32 to index
      %get3A_455 = tpu.vector_load %arg7[%get3A_453, %get3A_454] {strides = array<i32>} : memref<8x1024xf32, #tpu.memory_space<vmem>>, vector<16xf32>,
      %get3A_456 = arith.constant 5 : i32
      %get3A_457 = arith.index_cast %get3A_456 : i32 to index
      %get3A_458 = arith.index_cast %mul3A_404 : i32 to index
      %get3A_459 = tpu.vector_load %arg7[%get3A_457, %get3A_458] {strides = array<i32>} : memref<8x1024xf32, #tpu.memory_space<vmem>>, vector<16xf32>,
      %get3A_460 = arith.constant 6 : i32
      %get3A_461 = arith.index_cast %get3A_460 : i32 to index
      %get3A_462 = arith.index_cast %mul3A_404 : i32 to index
      %get3A_463 = tpu.vector_load %arg7[%get3A_461, %get3A_462] {strides = array<i32>} : memref<8x1024xf32, #tpu.memory_space<vmem>>, vector<16xf32>,
      %get3A_464 = arith.constant 7 : i32
      %get3A_465 = arith.index_cast %get3A_464 : i32 to index
      %get3A_466 = arith.index_cast %mul3A_404 : i32 to index
      %get3A_467 = tpu.vector_load %arg7[%get3A_465, %get3A_466] {strides = array<i32>} : memref<8x1024xf32, #tpu.memory_space<vmem>>, vector<16xf32>,
      %broadcast_in_dim3A = arith.constant 0 : i32
      %broadcast_in_dim3A_468 = vector.broadcast %broadcast_in_dim3A : i32 to vector<16xi32>
      %broadcast_in_dim3A_469 = arith.constant 0xFF800000 : f32
      %broadcast_in_dim3A_470 = vector.broadcast %broadcast_in_dim3A_469 : f32 to vector<16xf32>
      %broadcast_in_dim3A_471 = arith.constant 0.000000e+00 : f32
      %broadcast_in_dim3A_472 = vector.broadcast %broadcast_in_dim3A_471 : f32 to vector<16xf32>
      %broadcast_in_dim3A_473 = arith.constant 0 : i32
      %broadcast_in_dim3A_474 = vector.broadcast %broadcast_in_dim3A_473 : i32 to vector<16xi32>
      %broadcast_in_dim3A_475 = arith.constant 1 : i32
      %broadcast_in_dim3A_476 = vector.broadcast %broadcast_in_dim3A_475 : i32 to vector<16xi32>
      %gt3A = arith.cmpf ogt, %get3A_443, %get3A_439 : vector<16xf32>
      %gt3A_477 = arith.cmpf ogt, %get3A_443, %broadcast_in_dim3A_470 : vector<16xf32>
      %select_n3A = arith.select %gt3A_477, %get3A_443, %broadcast_in_dim3A_470 : vector<16xi1>, vector<16xf32>
      %select_n3A_478 = arith.select %gt3A, %get3A_439, %select_n3A : vector<16xi1>, vector<16xf32>
      %select_n3A_479 = arith.select %gt3A_477, %get3A_411, %broadcast_in_dim3A_472 : vector<16xi1>, vector<16xf32>
      %select_n3A_480 = arith.select %gt3A, %get3A_407, %select_n3A_479 : vector<16xi1>, vector<16xf32>
      %select_n3A_481 = arith.select %gt3A_477, %broadcast_in_dim3A_476, %broadcast_in_dim3A_474 : vector<16xi1>, vector<16xi32>
      %select_n3A_482 = arith.select %gt3A, %broadcast_in_dim3A_468, %select_n3A_481 : vector<16xi1>, vector<16xi32>
      %select_n3A_483 = arith.select %gt3A, %get3A_443, %get3A_439 : vector<16xi1>, vector<16xf32>
      %select_n3A_484 = arith.select %gt3A, %get3A_411, %get3A_407 : vector<16xi1>, vector<16xf32>
      %select_n3A_485 = arith.select %gt3A, %broadcast_in_dim3A_476, %broadcast_in_dim3A_468 : vector<16xi1>, vector<16xi32>
      %broadcast_in_dim3A_486 = arith.constant 2 : i32
      %broadcast_in_dim3A_487 = vector.broadcast %broadcast_in_dim3A_486 : i32 to vector<16xi32>
      %gt3A_488 = arith.cmpf ogt, %get3A_447, %select_n3A_483 : vector<16xf32>
      %gt3A_489 = arith.cmpf ogt, %get3A_447, %select_n3A_478 : vector<16xf32>
      %select_n3A_490 = arith.select %gt3A_489, %get3A_447, %select_n3A_478 : vector<16xi1>, vector<16xf32>
      %select_n3A_491 = arith.select %gt3A_488, %select_n3A_483, %select_n3A_490 : vector<16xi1>, vector<16xf32>
      %select_n3A_492 = arith.select %gt3A_489, %get3A_415, %select_n3A_480 : vector<16xi1>, vector<16xf32>
      %select_n3A_493 = arith.select %gt3A_488, %select_n3A_484, %select_n3A_492 : vector<16xi1>, vector<16xf32>
      %select_n3A_494 = arith.select %gt3A_489, %broadcast_in_dim3A_487, %select_n3A_482 : vector<16xi1>, vector<16xi32>
      %select_n3A_495 = arith.select %gt3A_488, %select_n3A_485, %select_n3A_494 : vector<16xi1>, vector<16xi32>
      %select_n3A_496 = arith.select %gt3A_488, %get3A_447, %select_n3A_483 : vector<16xi1>, vector<16xf32>
      %select_n3A_497 = arith.select %gt3A_488, %get3A_415, %select_n3A_484 : vector<16xi1>, vector<16xf32>
      %select_n3A_498 = arith.select %gt3A_488, %broadcast_in_dim3A_487, %select_n3A_485 : vector<16xi1>, vector<16xi32>
      %broadcast_in_dim3A_499 = arith.constant 3 : i32
      %broadcast_in_dim3A_500 = vector.broadcast %broadcast_in_dim3A_499 : i32 to vector<16xi32>
      %gt3A_501 = arith.cmpf ogt, %get3A_451, %select_n3A_496 : vector<16xf32>
      %gt3A_502 = arith.cmpf ogt, %get3A_451, %select_n3A_491 : vector<16xf32>
      %select_n3A_503 = arith.select %gt3A_502, %get3A_451, %select_n3A_491 : vector<16xi1>, vector<16xf32>
      %select_n3A_504 = arith.select %gt3A_501, %select_n3A_496, %select_n3A_503 : vector<16xi1>, vector<16xf32>
      %select_n3A_505 = arith.select %gt3A_502, %get3A_419, %select_n3A_493 : vector<16xi1>, vector<16xf32>
      %select_n3A_506 = arith.select %gt3A_501, %select_n3A_497, %select_n3A_505 : vector<16xi1>, vector<16xf32>
      %select_n3A_507 = arith.select %gt3A_502, %broadcast_in_dim3A_500, %select_n3A_495 : vector<16xi1>, vector<16xi32>
      %select_n3A_508 = arith.select %gt3A_501, %select_n3A_498, %select_n3A_507 : vector<16xi1>, vector<16xi32>
      %select_n3A_509 = arith.select %gt3A_501, %get3A_451, %select_n3A_496 : vector<16xi1>, vector<16xf32>
      %select_n3A_510 = arith.select %gt3A_501, %get3A_419, %select_n3A_497 : vector<16xi1>, vector<16xf32>
      %select_n3A_511 = arith.select %gt3A_501, %broadcast_in_dim3A_500, %select_n3A_498 : vector<16xi1>, vector<16xi32>
      %broadcast_in_dim3A_512 = arith.constant 4 : i32
      %broadcast_in_dim3A_513 = vector.broadcast %broadcast_in_dim3A_512 : i32 to vector<16xi32>
      %gt3A_514 = arith.cmpf ogt, %get3A_455, %select_n3A_509 : vector<16xf32>
      %gt3A_515 = arith.cmpf ogt, %get3A_455, %select_n3A_504 : vector<16xf32>
      %select_n3A_516 = arith.select %gt3A_515, %get3A_455, %select_n3A_504 : vector<16xi1>, vector<16xf32>
      %select_n3A_517 = arith.select %gt3A_514, %select_n3A_509, %select_n3A_516 : vector<16xi1>, vector<16xf32>
      %select_n3A_518 = arith.select %gt3A_515, %get3A_423, %select_n3A_506 : vector<16xi1>, vector<16xf32>
      %select_n3A_519 = arith.select %gt3A_514, %select_n3A_510, %select_n3A_518 : vector<16xi1>, vector<16xf32>
      %select_n3A_520 = arith.select %gt3A_515, %broadcast_in_dim3A_513, %select_n3A_508 : vector<16xi1>, vector<16xi32>
      %select_n3A_521 = arith.select %gt3A_514, %select_n3A_511, %select_n3A_520 : vector<16xi1>, vector<16xi32>
      %select_n3A_522 = arith.select %gt3A_514, %get3A_455, %select_n3A_509 : vector<16xi1>, vector<16xf32>
      %select_n3A_523 = arith.select %gt3A_514, %get3A_423, %select_n3A_510 : vector<16xi1>, vector<16xf32>
      %select_n3A_524 = arith.select %gt3A_514, %broadcast_in_dim3A_513, %select_n3A_511 : vector<16xi1>, vector<16xi32>
      %broadcast_in_dim3A_525 = arith.constant 5 : i32
      %broadcast_in_dim3A_526 = vector.broadcast %broadcast_in_dim3A_525 : i32 to vector<16xi32>
      %gt3A_527 = arith.cmpf ogt, %get3A_459, %select_n3A_522 : vector<16xf32>
      %gt3A_528 = arith.cmpf ogt, %get3A_459, %select_n3A_517 : vector<16xf32>
      %select_n3A_529 = arith.select %gt3A_528, %get3A_459, %select_n3A_517 : vector<16xi1>, vector<16xf32>
      %select_n3A_530 = arith.select %gt3A_527, %select_n3A_522, %select_n3A_529 : vector<16xi1>, vector<16xf32>
      %select_n3A_531 = arith.select %gt3A_528, %get3A_427, %select_n3A_519 : vector<16xi1>, vector<16xf32>
      %select_n3A_532 = arith.select %gt3A_527, %select_n3A_523, %select_n3A_531 : vector<16xi1>, vector<16xf32>
      %select_n3A_533 = arith.select %gt3A_528, %broadcast_in_dim3A_526, %select_n3A_521 : vector<16xi1>, vector<16xi32>
      %select_n3A_534 = arith.select %gt3A_527, %select_n3A_524, %select_n3A_533 : vector<16xi1>, vector<16xi32>
      %select_n3A_535 = arith.select %gt3A_527, %get3A_459, %select_n3A_522 : vector<16xi1>, vector<16xf32>
      %select_n3A_536 = arith.select %gt3A_527, %get3A_427, %select_n3A_523 : vector<16xi1>, vector<16xf32>
      %select_n3A_537 = arith.select %gt3A_527, %broadcast_in_dim3A_526, %select_n3A_524 : vector<16xi1>, vector<16xi32>
      %broadcast_in_dim3A_538 = arith.constant 6 : i32
      %broadcast_in_dim3A_539 = vector.broadcast %broadcast_in_dim3A_538 : i32 to vector<16xi32>
      %gt3A_540 = arith.cmpf ogt, %get3A_463, %select_n3A_535 : vector<16xf32>
      %gt3A_541 = arith.cmpf ogt, %get3A_463, %select_n3A_530 : vector<16xf32>
      %select_n3A_542 = arith.select %gt3A_541, %get3A_463, %select_n3A_530 : vector<16xi1>, vector<16xf32>
      %select_n3A_543 = arith.select %gt3A_540, %select_n3A_535, %select_n3A_542 : vector<16xi1>, vector<16xf32>
      %select_n3A_544 = arith.select %gt3A_541, %get3A_431, %select_n3A_532 : vector<16xi1>, vector<16xf32>
      %select_n3A_545 = arith.select %gt3A_540, %select_n3A_536, %select_n3A_544 : vector<16xi1>, vector<16xf32>
      %select_n3A_546 = arith.select %gt3A_541, %broadcast_in_dim3A_539, %select_n3A_534 : vector<16xi1>, vector<16xi32>
      %select_n3A_547 = arith.select %gt3A_540, %select_n3A_537, %select_n3A_546 : vector<16xi1>, vector<16xi32>
      %select_n3A_548 = arith.select %gt3A_540, %get3A_463, %select_n3A_535 : vector<16xi1>, vector<16xf32>
      %select_n3A_549 = arith.select %gt3A_540, %get3A_431, %select_n3A_536 : vector<16xi1>, vector<16xf32>
      %select_n3A_550 = arith.select %gt3A_540, %broadcast_in_dim3A_539, %select_n3A_537 : vector<16xi1>, vector<16xi32>
      %broadcast_in_dim3A_551 = arith.constant 7 : i32
      %broadcast_in_dim3A_552 = vector.broadcast %broadcast_in_dim3A_551 : i32 to vector<16xi32>
      %gt3A_553 = arith.cmpf ogt, %get3A_467, %select_n3A_548 : vector<16xf32>
      %gt3A_554 = arith.cmpf ogt, %get3A_467, %select_n3A_543 : vector<16xf32>
      %select_n3A_555 = arith.select %gt3A_554, %get3A_467, %select_n3A_543 : vector<16xi1>, vector<16xf32>
      %select_n3A_556 = arith.select %gt3A_553, %select_n3A_548, %select_n3A_555 : vector<16xi1>, vector<16xf32>
      %select_n3A_557 = arith.select %gt3A_554, %get3A_435, %select_n3A_545 : vector<16xi1>, vector<16xf32>
      %select_n3A_558 = arith.select %gt3A_553, %select_n3A_549, %select_n3A_557 : vector<16xi1>, vector<16xf32>
      %select_n3A_559 = arith.select %gt3A_554, %broadcast_in_dim3A_552, %select_n3A_547 : vector<16xi1>, vector<16xi32>
      %select_n3A_560 = arith.select %gt3A_553, %select_n3A_550, %select_n3A_559 : vector<16xi1>, vector<16xi32>
      %select_n3A_561 = arith.select %gt3A_553, %get3A_467, %select_n3A_548 : vector<16xi1>, vector<16xf32>
      %select_n3A_562 = arith.select %gt3A_553, %get3A_435, %select_n3A_549 : vector<16xi1>, vector<16xf32>
      %select_n3A_563 = arith.select %gt3A_553, %broadcast_in_dim3A_552, %select_n3A_550 : vector<16xi1>, vector<16xi32>
      %add3A_564 = arith.addf %select_n3A_562, %select_n3A_558 : vector<16xf32>
      %add3A_565 = arith.constant 9.99999968E-21 : f32
      %add3A_566 = vector.broadcast %add3A_565 : f32 to vector<16xf32>
      %add3A_567 = arith.addf %add3A_564, %add3A_566 : vector<16xf32>
      %add3A_568 = vector.broadcast %mul3A_404 : i32 to vector<16xi32>
      %add3A_569 = arith.addi %add3A_568, %iota3A : vector<16xi32>
      %mul3A_570 = arith.constant 2 : i32
      %mul3A_571 = vector.broadcast %mul3A_570 : i32 to vector<16xi32>
      %mul3A_572 = arith.muli %add3A_569, %mul3A_571 : vector<16xi32>
      %div3A = arith.divf %select_n3A_562, %add3A_567 : vector<16xf32>
      tpu.vector_store_idx %arg8[%mul3A_572], %div3A : memref<2048xf32, #tpu.memory_space<vmem>>[vector<16xi32>], vector<16xf32>,
      %add3A_573 = arith.constant 1 : i32
      %add3A_574 = vector.broadcast %add3A_573 : i32 to vector<16xi32>
      %add3A_575 = arith.addi %mul3A_572, %add3A_574 : vector<16xi32>
      %div3A_576 = arith.divf %select_n3A_558, %add3A_567 : vector<16xf32>
      tpu.vector_store_idx %arg8[%add3A_575], %div3A_576 : memref<2048xf32, #tpu.memory_space<vmem>>[vector<16xi32>], vector<16xf32>,
      tpu.vector_store_idx %arg9[%mul3A_572], %select_n3A_563 : memref<2048xi32, #tpu.memory_space<vmem>>[vector<16xi32>], vector<16xi32>,
      %add3A_577 = arith.constant 1 : i32
      %add3A_578 = vector.broadcast %add3A_577 : i32 to vector<16xi32>
      %add3A_579 = arith.addi %mul3A_572, %add3A_578 : vector<16xi32>
      tpu.vector_store_idx %arg9[%add3A_579], %select_n3A_560 : memref<2048xi32, #tpu.memory_space<vmem>>[vector<16xi32>], vector<16xi32>,
    }
    %scan3A_389 = arith.constant 64 : i32
    %mul3A_390 = arith.constant 2 : i32
    %mul3A_391 = arith.muli %mul3A_390, %mul3A_2 : i32
    %dma_start3A_392 = tpu.memref_slice %arg4[%mul3A_391] : memref<65536xf32, #tpu.memory_space<hbm>> -> memref<2048xf32, #tpu.memory_space<hbm>>
    %dma_start3A_393 = tpu.memref_slice %arg4[%mul3A_391] : memref<65536xf32, #tpu.memory_space<hbm>> -> memref<2048xf32, #tpu.memory_space<hbm>>
    tpu.enqueue_dma source(%arg8 : memref<2048xf32, #tpu.memory_space<vmem>>) target(%dma_start3A_393 : memref<2048xf32, #tpu.memory_space<hbm>>) target_semaphore(%arg10 : memref<!tpu.dma_semaphore, #tpu.memory_space<semaphore_mem>>)
    %mul3A_394 = arith.constant 2 : i32
    %mul3A_395 = arith.muli %mul3A_394, %mul3A_2 : i32
    %dma_start3A_396 = tpu.memref_slice %arg5[%mul3A_395] : memref<65536xi32, #tpu.memory_space<hbm>> -> memref<2048xi32, #tpu.memory_space<hbm>>
    %dma_start3A_397 = tpu.memref_slice %arg5[%mul3A_395] : memref<65536xi32, #tpu.memory_space<hbm>> -> memref<2048xi32, #tpu.memory_space<hbm>>
    tpu.enqueue_dma source(%arg9 : memref<2048xi32, #tpu.memory_space<vmem>>) target(%dma_start3A_397 : memref<2048xi32, #tpu.memory_space<hbm>>) target_semaphore(%arg10 : memref<!tpu.dma_semaphore, #tpu.memory_space<semaphore_mem>>)
    %dma_wait3A_398 = tpu.memref_slice %arg4[%mul3A_391] : memref<65536xf32, #tpu.memory_space<hbm>> -> memref<2048xf32, #tpu.memory_space<hbm>>
    %dma_wait3A_399 = tpu.memref_slice %arg4[%mul3A_391] : memref<65536xf32, #tpu.memory_space<hbm>> -> memref<2048xf32, #tpu.memory_space<hbm>>
    tpu.wait_dma2 semaphore(%arg10 : memref<!tpu.dma_semaphore, #tpu.memory_space<semaphore_mem>>) src(%arg8 : memref<2048xf32, #tpu.memory_space<vmem>>) dst(%dma_wait3A_399 : memref<2048xf32, #tpu.memory_space<hbm>>)
    %dma_wait3A_400 = tpu.memref_slice %arg5[%mul3A_395] : memref<65536xi32, #tpu.memory_space<hbm>> -> memref<2048xi32, #tpu.memory_space<hbm>>
    %dma_wait3A_401 = tpu.memref_slice %arg5[%mul3A_395] : memref<65536xi32, #tpu.memory_space<hbm>> -> memref<2048xi32, #tpu.memory_space<hbm>>
    tpu.wait_dma2 semaphore(%arg10 : memref<!tpu.dma_semaphore, #tpu.memory_space<semaphore_mem>>) src(%arg9 : memref<2048xi32, #tpu.memory_space<vmem>>) dst(%dma_wait3A_401 : memref<2048xi32, #tpu.memory_space<hbm>>)
    return
  }
}

module attributes {stable_mosaic.version = 14 : i64} {
  func.func @_scores_body(%arg0: i32, %arg1: memref<4096x384xf32, #tpu.memory_space<vmem>>, %arg2: memref<4096x384xf32, #tpu.memory_space<vmem>>, %arg3: memref<8x384xf32, #tpu.memory_space<vmem>>, %arg4: memref<8x384xf32, #tpu.memory_space<vmem>>, %arg5: memref<8x1xf32, #tpu.memory_space<vmem>>, %arg6: memref<8x4096xf32, #tpu.memory_space<vmem>>, %arg7: memref<8x4096xf32, #tpu.memory_space<vmem>>) attributes {dimension_semantics = [#tpu.dimension_semantics<arbitrary>], iteration_bounds = array<i64: 8>, scalar_prefetch = 0 : i64, scratch_operands = 0 : i64, tpu.core_type = #tpu.core_type<tc>, window_params = [{transform_indices = @transform_0, window_bounds = array<i64: 4096, 384>}, {transform_indices = @transform_1, window_bounds = array<i64: 4096, 384>}, {transform_indices = @transform_2, window_bounds = array<i64: 8, 384>}, {transform_indices = @transform_3, window_bounds = array<i64: 8, 384>}, {pipeline_mode = #tpu.pipeline_mode<synchronous>, transform_indices = @transform_4, window_bounds = array<i64: 8, 1>}, {transform_indices = @transform_5, window_bounds = array<i64: 8, 4096>}, {transform_indices = @transform_6, window_bounds = array<i64: 8, 4096>}]} {
    %get3A = arith.constant 0 : index
    %get3A_0 = arith.constant 0 : index
    %get3A_1 = vector.load %arg3[%get3A, %get3A_0] : memref<8x384xf32, #tpu.memory_space<vmem>>, vector<8x384xf32>
    %get3A_2 = arith.constant 0 : index
    %get3A_3 = arith.constant 0 : index
    %get3A_4 = vector.load %arg1[%get3A_2, %get3A_3] : memref<4096x384xf32, #tpu.memory_space<vmem>>, vector<4096x384xf32>
    %dot_general3A = arith.constant dense<0.000000e+00> : vector<8x4096xf32>
    %dot_general3A_5 = tpu.matmul %get3A_1, %get3A_4, %dot_general3A {dimension_numbers = #tpu.dot_dimension_numbers<[1], [1], [0], [0], [0, 0, 1, 0], [], []>, transpose_lhs_hint = false} : vector<8x384xf32>, vector<4096x384xf32>, vector<8x4096xf32> -> vector<8x4096xf32>
    %get3A_6 = arith.constant 0 : index
    %get3A_7 = arith.constant 0 : index
    %get3A_8 = vector.load %arg4[%get3A_6, %get3A_7] : memref<8x384xf32, #tpu.memory_space<vmem>>, vector<8x384xf32>
    %get3A_9 = arith.constant 0 : index
    %get3A_10 = arith.constant 0 : index
    %get3A_11 = vector.load %arg2[%get3A_9, %get3A_10] : memref<4096x384xf32, #tpu.memory_space<vmem>>, vector<4096x384xf32>
    %dot_general3A_12 = arith.constant dense<0.000000e+00> : vector<8x4096xf32>
    %dot_general3A_13 = tpu.matmul %get3A_8, %get3A_11, %dot_general3A_12 {dimension_numbers = #tpu.dot_dimension_numbers<[1], [1], [0], [0], [0, 0, 1, 0], [], []>, transpose_lhs_hint = false} : vector<8x384xf32>, vector<4096x384xf32>, vector<8x4096xf32> -> vector<8x4096xf32>
    %add3A = arith.addf %dot_general3A_5, %dot_general3A_13 : vector<8x4096xf32>
    %logistic3A = arith.negf %add3A : vector<8x4096xf32>
    %logistic3A_14 = math.exp %logistic3A : vector<8x4096xf32>
    %logistic3A_15 = arith.constant 1.000000e+00 : f32
    %logistic3A_16 = vector.broadcast %logistic3A_15 : f32 to vector<8x4096xf32>
    %logistic3A_17 = arith.addf %logistic3A_16, %logistic3A_14 : vector<8x4096xf32>
    %logistic3A_18 = arith.divf %logistic3A_16, %logistic3A_17 : vector<8x4096xf32>
    %swap3A = arith.constant 0 : index
    %swap3A_19 = arith.constant 0 : index
    %swap3A_20 = vector.load %arg6[%swap3A, %swap3A_19] : memref<8x4096xf32, #tpu.memory_space<vmem>>, vector<8x4096xf32>
    tpu.vector_store %arg6[%swap3A, %swap3A_19], %logistic3A_18 {strides = array<i32>} : memref<8x4096xf32, #tpu.memory_space<vmem>>, vector<8x4096xf32>,
    %get3A_21 = arith.constant 0 : index
    %get3A_22 = arith.constant 0 : index
    %get3A_23 = vector.load %arg5[%get3A_21, %get3A_22] : memref<8x1xf32, #tpu.memory_space<vmem>>, vector<8x1xf32>
    %add3A_24 = vector.broadcast %get3A_23 : vector<8x1xf32> to vector<8x4096xf32>
    %add3A_25 = arith.addf %logistic3A_18, %add3A_24 : vector<8x4096xf32>
    %swap3A_26 = arith.constant 0 : index
    %swap3A_27 = arith.constant 0 : index
    %swap3A_28 = vector.load %arg7[%swap3A_26, %swap3A_27] : memref<8x4096xf32, #tpu.memory_space<vmem>>, vector<8x4096xf32>
    tpu.vector_store %arg7[%swap3A_26, %swap3A_27], %add3A_25 {strides = array<i32>} : memref<8x4096xf32, #tpu.memory_space<vmem>>, vector<8x4096xf32>,
    return
  }
  func.func @transform_0(%arg0: i32) -> (i32, i32) {
    %add3A = arith.constant 0 : i32
    %add3A_0 = arith.addi %arg0, %add3A : i32
    %c0_i32 = arith.constant 0 : i32
    %c0_i32_1 = arith.constant 0 : i32
    return %add3A_0, %c0_i32 : i32, i32
  }
  func.func @transform_1(%arg0: i32) -> (i32, i32) {
    %add3A = arith.constant 0 : i32
    %add3A_0 = arith.addi %arg0, %add3A : i32
    %c1_i32 = arith.constant 1 : i32
    %c0_i32 = arith.constant 0 : i32
    return %add3A_0, %c1_i32 : i32, i32
  }
  func.func @transform_2(%arg0: i32) -> (i32, i32) {
    %c0_i32 = arith.constant 0 : i32
    %c0_i32_0 = arith.constant 0 : i32
    %c0_i32_1 = arith.constant 0 : i32
    return %c0_i32, %c0_i32_0 : i32, i32
  }
  func.func @transform_3(%arg0: i32) -> (i32, i32) {
    %c0_i32 = arith.constant 0 : i32
    %c1_i32 = arith.constant 1 : i32
    %c0_i32_0 = arith.constant 0 : i32
    return %c0_i32, %c1_i32 : i32, i32
  }
  func.func @transform_4(%arg0: i32) -> (i32, i32) {
    %c0_i32 = arith.constant 0 : i32
    %c0_i32_0 = arith.constant 0 : i32
    %c0_i32_1 = arith.constant 0 : i32
    return %c0_i32, %c0_i32_0 : i32, i32
  }
  func.func @transform_5(%arg0: i32) -> (i32, i32) {
    %c0_i32 = arith.constant 0 : i32
    %c0_i32_0 = arith.constant 0 : i32
    return %c0_i32, %arg0 : i32, i32
  }
  func.func @transform_6(%arg0: i32) -> (i32, i32) {
    %c0_i32 = arith.constant 0 : i32
    %c0_i32_0 = arith.constant 0 : i32
    return %c0_i32, %arg0 : i32, i32
  }
}

</mosaic_0001>

<sc_bundles>
// kernel: kernel.4.cloned.1.call-start
scs
__scs_entry_jumppad:
0x0: {  	(pc) =	sbr.rel $0x88, $3  }
0x1: {  	(tag) =	ssettag $0x0;
	lr =	simm.s32 $0x1  }
0x2: {  	[smem:$0x3F9E] =	sst lr;
	_ =	strace $0xD0000000  }
0x3: {  	_ = 	snop  }
0x4: {  	_ = 	snop  }
0x5: {  	_ = 	snop  }
0x6: {  	_ = 	snop  }
0x7: {  	_ = 	snop  }
__scs_overlays_trampoline_lowered:
0x8: {  	[smem:$0x3FAD] =	sst s0  }
0x9: {  	[smem:$0x3FAE] =	sst s1  }
0xa: {  	[smem:$0x3FAF] =	sst s2  }
0xb: {  	[smem:$0x3FB0] =	sst s3  }
0xc: {  	[smem:$0x3FB1] =	sst s4  }
0xd: {  	[smem:$0x3FB2] =	sst s5  }
0xe: {  	[smem:$0x3FB3] =	sst s6  }
0xf: {  	[smem:$0x3FB4] =	sst s7  }
0x10: {  	[smem:$0x3FB5] =	sst s8  }
0x11: {  	[smem:$0x3FB6] =	sst s9;
	s0 =	simm.s32 @!p0 $0x0  }
0x12: {  	s1 =	sld [smem:$0x3F9C];
	s0 =	simm.s32 @p0 $0x1  }
0x13: {  	[smem:$0x3FB7] =	sst s0;
	s0 =	simm.s32 @!p1 $0x0  }
0x14: {  	s2 =	sld [smem:$0x3F9B];
	s0 =	simm.s32 @p1 $0x1  }
0x15: {  	[smem:$0x3FB8] =	sst s0;
	s0 =	simm.s32 @!p2 $0x0  }
0x16: {  	s3 =	sld [smem:$0x3FDB];
	s0 =	simm.s32 @p2 $0x1  }
0x17: {  	s4 =	simm.s32 $0x1BF5;
	[smem:$0x3FBA] =	sst s0  }
0x18: {  	s0 =	sld [smem:$0x3F9D];
	_ =	swait.ge [sflag:s4], $0x0  }
0x19: {  	s7 =	sld [smem:$0x3F9E]  }
0x1a: {  	s8 =	sadd.s32 $0xFFFFE003, lr  }
0x1b: {  	s9 =	sadd.s32 $0xFFFFFEF7, lr;
	s5 =	simm.s32 $0xFFFFFFFF;
	p2 =	slt.u32 s8, $0xFFFFF086  }
0x1c: {  	p1 =	slt.u32 s9, $0xF7A;
	s5 =	simm.s32 @!p2 $0x0  }
0x1d: {  	s5 =	simm.s32 @p1 $0x1;
	p0 =	seq.s32 s7, s2  }
0x1e: {  	s7 =	smul.u32 @!p0 $0xF7A, s2;
	p2 =	seq.s32 @!p0 s5, $0x0  }
0x1f: {  	s9 =	smul.u32 $0xF7A, s1;
	s8 =	simm.s32 @!p0 $0x1BF5;
	p2 =	por !p2, p0  }
0x20: {  	[sflag:s8] =	ssyncset.s32 @!p0 $0xFFFFF086;
	s6 =	sadd.s32 @!p0 s3, s7;
	s7 =	simm.s32 @!p0 $0x108  }
0x21: {  	s3 =	sadd.s32 s3, s9;
	s6 =	sadd.s32 @!p0 $0x88, s6;
	s7 =	simm.s32 @p2 $0x1082  }
0x22: {  	[simem:s7], [sflag:s8] =	dma.local @!p0 [hbm:s6], $0xF7A  }
0x23: {  	s9 =	sor.u32 $0xD0000000, s2;
	s6 =	simm.s32 $0x108;
	_ =	swait.ge @!p0 [sflag:s8], $0x0  }
0x24: {  	s3 =	sadd.s32 $0x88, s3;
	s6 =	simm.s32 @!p1 $0x1082;
	[sflag:s4] =	ssyncset.s32 $0xFFFFF086  }
0x25: {  	[simem:s6], [sflag:s4] =	dma.local [hbm:s3], $0xF7A  }
0x26: {  	[smem:$0x3F9E] =	sst s1;
	(tag) =	ssettag s2;
	_ =	strace s9  }
0x27: {  	s1 =	sld [smem:$0x3FAE]  }
0x28: {  	s2 =	sld [smem:$0x3FAF]  }
0x29: {  	s4 =	sld [smem:$0x3FB1]  }
0x2a: {  	p0 =	seq.s32 s5, $0x0;
	s5 =	sld [smem:$0x3FB2]  }
0x2b: {  	s6 =	sld [smem:$0x3FB3]  }
0x2c: {  	s7 =	sld [smem:$0x3FB4]  }
0x2d: {  	s3 =	simm.s32 $0x108;
	s8 =	sld [smem:$0x3FB5]  }
0x2e: {  	s3 =	simm.s32 @!p0 $0x1082;
	s9 =	sld [smem:$0x3FB6]  }
0x2f: {  	lr =	sadd.s32 s0, s3;
	s0 =	sld [smem:$0x3FAD]  }
0x30: {  	s3 =	sld [smem:$0x3FB0]  }
0x31: {  	[smem:$0x3FB9] =	sst s10  }
0x32: {  	s10 =	sld [smem:$0x3FB7];
	_ =	sdelay $0x3  }
0x33: {  	p0 =	seq.s32 s10, $0x1;
	s10 =	sld [smem:$0x3FB9];
	_ =	sdelay $0x3  }
0x34: {  	[smem:$0x3FB9] =	sst s10  }
0x35: {  	s10 =	sld [smem:$0x3FB8];
	_ =	sdelay $0x3  }
0x36: {  	p1 =	seq.s32 s10, $0x1;
	s10 =	sld [smem:$0x3FB9];
	_ =	sdelay $0x3  }
0x37: {  	[smem:$0x3FB9] =	sst s10  }
0x38: {  	s10 =	sld [smem:$0x3FBA]  }
0x39: {  	_ = 	snop;
	(pc) =	sbr.ind lr, $3  }
0x3a: {  	_ = 	snop  }
0x3b: {  	_ = 	snop  }
0x3c: {  	p2 =	seq.s32 s10, $0x1;
	s10 =	sld [smem:$0x3FB9]  }
0x3d: {  	_ =	shalt  }
0x3e: {  	_ =	shalt  }
0x3f: {  	_ =	shalt  }
0x40: {  	_ =	shalt  }
0x41: {  	_ =	shalt  }
0x42: {  	_ =	shalt  }
0x43: {  	_ =	shalt  }
0x44: {  	_ =	shalt  }
0x45: {  	_ =	shalt  }
0x46: {  	_ =	shalt  }
0x47: {  	_ =	shalt  }
0x48: {  	_ =	shalt  }
0x49: {  	_ =	shalt  }
0x4a: {  	_ =	shalt  }
0x4b: {  	_ =	shalt  }
0x4c: {  	_ =	shalt  }
0x4d: {  	_ =	shalt  }
0x4e: {  	_ =	shalt  }
0x4f: {  	_ =	shalt  }
0x50: {  	_ =	shalt  }
0x51: {  	_ =	shalt  }
0x52: {  	_ =	shalt  }
0x53: {  	_ =	shalt  }
0x54: {  	_ =	shalt  }
0x55: {  	_ =	shalt  }
0x56: {  	_ =	shalt  }
0x57: {  	_ =	shalt  }
0x58: {  	_ =	shalt  }
0x59: {  	_ =	shalt  }
0x5a: {  	_ =	shalt  }
0x5b: {  	_ =	shalt  }
0x5c: {  	_ =	shalt  }
0x5d: {  	_ =	shalt  }
0x5e: {  	_ =	shalt  }
0x5f: {  	_ =	shalt  }
0x60: {  	_ =	shalt  }
0x61: {  	_ =	shalt  }
0x62: {  	_ =	shalt  }
0x63: {  	_ =	shalt  }
0x64: {  	_ =	shalt  }
0x65: {  	_ =	shalt  }
0x66: {  	_ =	shalt  }
0x67: {  	_ =	shalt  }
0x68: {  	_ =	shalt  }
0x69: {  	_ =	shalt  }
0x6a: {  	_ =	shalt  }
0x6b: {  	_ =	shalt  }
0x6c: {  	_ =	shalt  }
0x6d: {  	_ =	shalt  }
0x6e: {  	_ =	shalt  }
0x6f: {  	_ =	shalt  }
0x70: {  	_ =	shalt  }
0x71: {  	_ =	shalt  }
0x72: {  	_ =	shalt  }
0x73: {  	_ =	shalt  }
0x74: {  	_ =	shalt  }
0x75: {  	_ =	shalt  }
0x76: {  	_ =	shalt  }
0x77: {  	_ =	shalt  }
0x78: {  	_ =	shalt  }
0x79: {  	_ =	shalt  }
0x7a: {  	_ =	shalt  }
0x7b: {  	_ =	shalt  }
0x7c: {  	_ =	shalt  }
0x7d: {  	_ =	shalt  }
0x7e: {  	_ =	shalt  }
0x7f: {  	_ =	shalt  }
0x80: {  	_ =	shalt  }
0x81: {  	_ =	shalt  }
0x82: {  	_ =	shalt  }
0x83: {  	_ =	shalt  }
0x84: {  	_ =	shalt  }
0x85: {  	_ =	shalt  }
0x86: {  	_ =	shalt  }
0x87: {  	_ =	shalt  }
.Lfunc_end0:
.L_simem_size_0:
called_computation_lowered:
.L_overlay_start_0:
0x88: {  	s2 =	sld [smem:$0x3FD9]  }
0x89: {  	s3 =	sld [smem:$0x3FFE];
	_ =	sdelay $0x1  }
0x8a: {  	s1 =	srdreg.scid  }
0x8b: {  	s0 =	sand.u32 $0x1, s1  }
0x8c: {  	s14 =	sshll.u32 s0, $0xA;
	s2 =	sadd.s32 s3, s2  }
0x8d: {  	s2 =	sadd.s32 s2, s14  }
0x8e: {  	[smem:$0x3FC5] =	sst s2  }
0x8f: {  	_ = 	snop  }
0x90: {  	s2 =	sld [smem:$0x3FD0];
	_ =	sdelay $0x2  }
0x91: {  	s15 =	simm.s32 $0xA;
	s4 =	simm.s32 $0x10  }
0x92: {  	[smem:s4], [sflag:s15] =	dma.local [hbm:s2], $0x1  }
0x93: {  	_ =	swait.eq [sflag:s15], $0x1  }
0x94: {  	[sflag:s15] =	ssyncset.done $0x0  }
0x95: {  	[sflag:s15] =	ssyncadd.s32 $0xFFFFFFFF  }
0x96: {  	s16 =	sld [smem:$0x11];
	(tm) =	ssettm $0x1  }
0x97: {  	s17 =	sld [smem:$0x3FFB];
	_ =	sdelay $0x3  }
0x98: {  	_ =	strace s17  }
0x99: {  	s3 =	sld [smem:$0x3FFC];
	_ =	sdelay $0x3  }
0x9a: {  	_ =	strace s3  }
0x9b: {  	s3 =	sld [smem:$0x3FFD];
	_ =	sdelay $0x3  }
0x9c: {  	_ =	strace s3  }
0x9d: {  	_ =	strace $0x8FFFFFFF  }
0x9e: {  	s18 =	sld [smem:$0x3FDB];
	_ =	sdelay $0x1  }
0x9f: {  	s19 =	simm.s32 $_scs_section_size  }
0xa0: {  	s5 =	simm.s32 $_size__tile_overlayer_lowered;
	s6 =	simm.s32 $_tile_overlayer_lowered  }
0xa1: {  	s22 =	simm.s32 $0x1BFF;
	s21 =	sshll.u32 s6, $0x1;
	s3 =	sadd.s32 s19, s18  }
0xa2: {  	s7 =	simm.s32 $0x0;
	s20 =	sshll.u32 s5, $0x1;
	s5 =	sadd.s32 s21, s3  }
0xa3: {  	[timem:s7], [sflag:s22] =	dma.local [hbm:s5], s20  }
0xa4: {  	_ =	swait.ge [sflag:s22], s20  }
0xa5: {  	s4 =	ssub.s32 $0x0, s20;
	[sflag:s22] =	ssyncset.done $0x0  }
0xa6: {  	[sflag:s22] =	ssyncadd.s32 s4;
	_ =	sdelay $0x1  }
0xa7: {  	s23 =	simm.s32 $0x1B8B  }
0xa8: {  	_ =	swait.ge [sflag:s23], $0x1  }
0xa9: {  	[sflag:s23] =	ssyncset.done $0x0  }
0xaa: {  	s25 =	simm.s32 $0x1B8E;
	s24 =	sld [smem:$0x3FFE];
	[sflag:s23] =	ssyncadd.s32 $0xFFFFFFFF  }
0xab: {  	s26 =	simm.s32 $execute0_lowered;
	[smem:$0x3FD2] =	sst s25  }
0xac: {  	s5 =	sshll.u32 s26, $0x1;
	_ =	strace $0x80000046;
	[dreg:$0x1] =	wrdreg $0xFFFFFFFF  }
0xad: {  	s28 =	simm.s32 $_size_execute0_lowered;
	s3 =	sadd.s32 s3, s5;
	[dreg:$0x0] =	wrdreg $0x0  }
0xae: {  	s5 =	sshll.u32 s28, $0x1;
	[dreg:$0x2] =	wrdreg s3  }
0xaf: {  	[dreg:$0x3] =	wrdreg s5  }
0xb0: {  	[dreg:$0x4] =	wrdreg $0xC0  }
0xb1: {  	_ =	task [dreg:s7], $0x5FFFF  }
0xb2: {  	[dreg:$0x1] =	wrdreg $0xFFFFFFFF  }
0xb3: {  	[dreg:$0x0] =	wrdreg $0x60  }
0xb4: {  	[dreg:$0x2] =	wrdreg s24  }
0xb5: {  	[dreg:$0x3] =	wrdreg s16  }
0xb6: {  	[dreg:$0x4] =	wrdreg $0x9  }
0xb7: {  	_ =	task.clear_ibuf [dreg:s7], $0x5FFFF;
	_ =	strace $0x90000046  }
0xb8: {  	s29 =	simm.s32 $0x9;
	_ =	strace $0x80000048  }
0xb9: {  	_ =	swait.ge [sflag:s29], $0x1  }
0xba: {  	[sflag:s29] =	ssyncadd.s32 $0xFFFFFFFF  }
0xbb: {  	_ =	strace $0x90000048  }
0xbc: {  	_ =	sfence  }
0xbd: {  	s30 =	sld [smem:$0x0];
	_ =	sdelay $0x2  }
0xbe: {  	s31 =	sshll.u32 s1, $0xD;
	s1 =	sshrl.u32 s1, $0x2  }
0xbf: {  	s3 =	sand.u32 $0x4000, s31;
	s1 =	sadd.s32 s1, s30  }
0xc0: {  	s0 =	sor.u32 s3, s0;
	s1 =	sshll.u32 s1, $0x11  }
0xc1: {  	s0 =	sor.u32 s1, s0  }
0xc2: {  	s0 =	sadd.s32 $0x8F2B, s0  }
0xc3: {  	[sflag:s0] =	ssyncadd.remote.s32 $0x1  }
0xc4: {  	_ =	sfence.sel $0xFFFF  }
0xc5: {  	[dreg:$0x0] =	wrdreg $0xFFFFFFFF;
	(pc) =	sbr.abs _section_cstart, $3  }
0xc6: {  	[dreg:$0x1] =	wrdreg $0xFFFFFFFF  }
0xc7: {  	_ =	task.clear_ibuf [dreg:s7], $0x2FFFF;
	_ =	strace $0x9FFFFFFF  }
0xc8: {  	(tm) =	ssettm $0x7FFFFFFF  }
0xc9: {  	_ =	shalt  }
tec
execute0_lowered:
.L_overlay_start_1:
0x0: {  	(tag) =	ssettag $0x1  }
0x1: {  	s0 =	rddreg [dreg:$0x0]  }
0x2: {  	s1 =	rddreg [dreg:$0x1];
	s2 =	simm.s32 $0x0;
	s3 =	srdreg.scid  }
0x3: {  	s4 =	stileid.u32;
	[smem:$0x7FF] =	sst s2;
	s3 =	sand.u32 $0x1, s3  }
0x4: {  	s4 =	sshll.u32 s4, $0x1;
	s17 =	sadd.s32 $0x1200, s0;
	s18 =	sadd.s32 $0x9200, s0  }
0x5: {  	_ =	strace $0x80000047;
	s4 =	sor.u32 s3, s4;
	s3 =	ssub.s32 $0x2, s3  }
0x6: {  	s19 =	sshll.u32 s4, $0x8;
	s5 =	sshrl.u32 s3, $0x1;
	s16 =	sshll.u32 s4, $0xA  }
0x7: {  	s0 =	sadd.s32 s19, s0;
	s20 =	ssub.s32 s3, s5;
	s3 =	sadd.s32 s17, s16  }
0x8: {  	s6 =	sor.u32 $0x10, s16;
	s4 =	sadd.s32 s18, s16;
	s8 =	sor.u32 $0x20, s16  }
0x9: {  	s10 =	sor.u32 $0x30, s16;
	s12 =	sor.u32 $0x40, s16;
	s14 =	sor.u32 $0x50, s16  }
0xa: {  	s21 =	sor.u32 $0x60, s16;
	s22 =	sor.u32 $0x70, s16;
	s1 =	sadd.s32 s1, s19  }
0xb: {  	s5 =	sadd.s32 s17, s6;
	s6 =	sadd.s32 s18, s6;
	s7 =	sadd.s32 s17, s8  }
0xc: {  	s8 =	sadd.s32 s18, s8;
	[dreg:$0x3] =	wrdreg s1;
	s0 =	sadd.s32 $0x11200, s0  }
0xd: {  	s9 =	sadd.s32 s17, s10;
	s26 =	smax.u32 s20, $0x1;
	[dreg:$0x4] =	wrdreg s0  }
0xe: {  	s10 =	sadd.s32 s18, s10;
	s28 =	sadd.s32 $0x80, s3;
	[dreg:$0x5] =	wrdreg s26  }
0xf: {  	s11 =	sadd.s32 s17, s12;
	s29 =	sadd.s32 $0x100, s3;
	[dreg:$0x6] =	wrdreg s28  }
0x10: {  	s12 =	sadd.s32 s18, s12;
	s30 =	sadd.s32 $0x180, s3;
	[dreg:$0x7] =	wrdreg s29  }
0x11: {  	s13 =	sadd.s32 s17, s14;
	s31 =	sadd.s32 $0x200, s3;
	[dreg:$0x8] =	wrdreg s30  }
0x12: {  	s14 =	sadd.s32 s18, s14;
	s1 =	sadd.s32 $0x280, s3;
	[dreg:$0x9] =	wrdreg s31  }
0x13: {  	s15 =	sadd.s32 s17, s21;
	s19 =	sadd.s32 $0x300, s3;
	[dreg:$0xa] =	wrdreg s1  }
0x14: {  	s16 =	sadd.s32 s18, s21;
	s20 =	sadd.s32 $0x380, s3;
	[dreg:$0xb] =	wrdreg s19  }
0x15: {  	s17 =	sadd.s32 s17, s22;
	s21 =	sadd.s32 $0x80, s4;
	[dreg:$0xc] =	wrdreg s20  }
0x16: {  	s18 =	sadd.s32 s18, s22;
	s22 =	sadd.s32 $0x100, s4;
	[dreg:$0xd] =	wrdreg s21  }
0x17: {  	s23 =	sadd.s32 $0x180, s4;
	[dreg:$0xe] =	wrdreg s22  }
0x18: {  	s24 =	sadd.s32 $0x200, s4;
	[dreg:$0xf] =	wrdreg s23  }
0x19: {  	s25 =	sadd.s32 $0x280, s4;
	[dreg:$0x10] =	wrdreg s24  }
0x1a: {  	[dreg:$0x11] =	wrdreg s25;
	s26 =	sadd.s32 $0x300, s4  }
0x1b: {  	s28 =	sadd.s32 $0x380, s4;
	[dreg:$0x12] =	wrdreg s26  }
0x1c: {  	s29 =	sadd.s32 $0x80, s5;
	[dreg:$0x13] =	wrdreg s28  }
0x1d: {  	s30 =	sadd.s32 $0x100, s5;
	[dreg:$0x14] =	wrdreg s29  }
0x1e: {  	s31 =	sadd.s32 $0x180, s5;
	[dreg:$0x15] =	wrdreg s30  }
0x1f: {  	s1 =	sadd.s32 $0x200, s5;
	[dreg:$0x16] =	wrdreg s31  }
0x20: {  	s19 =	sadd.s32 $0x280, s5;
	[dreg:$0x17] =	wrdreg s1  }
0x21: {  	s20 =	sadd.s32 $0x300, s5;
	[dreg:$0x18] =	wrdreg s19  }
0x22: {  	s21 =	sadd.s32 $0x380, s5;
	[dreg:$0x19] =	wrdreg s20  }
0x23: {  	s22 =	sadd.s32 $0x80, s6;
	[dreg:$0x1a] =	wrdreg s21  }
0x24: {  	s23 =	sadd.s32 $0x100, s6;
	[dreg:$0x1b] =	wrdreg s22  }
0x25: {  	s24 =	sadd.s32 $0x180, s6;
	[dreg:$0x1c] =	wrdreg s23  }
0x26: {  	s25 =	sadd.s32 $0x200, s6;
	[dreg:$0x1d] =	wrdreg s24  }
0x27: {  	[dreg:$0x1e] =	wrdreg s25;
	s26 =	sadd.s32 $0x280, s6  }
0x28: {  	s28 =	sadd.s32 $0x300, s6;
	[dreg:$0x1f] =	wrdreg s26  }
0x29: {  	s29 =	sadd.s32 $0x380, s6;
	[smem:$0x7AC] =	sst s28  }
0x2a: {  	s30 =	sadd.s32 $0x80, s7;
	[smem:$0x7AD] =	sst s29  }
0x2b: {  	s31 =	sadd.s32 $0x100, s7;
	[smem:$0x7AE] =	sst s30  }
0x2c: {  	s1 =	sadd.s32 $0x180, s7;
	[smem:$0x7AF] =	sst s31  }
0x2d: {  	s19 =	sadd.s32 $0x200, s7;
	[smem:$0x7B0] =	sst s1  }
0x2e: {  	s20 =	sadd.s32 $0x280, s7;
	[smem:$0x7B1] =	sst s19  }
0x2f: {  	s21 =	sadd.s32 $0x300, s7;
	[smem:$0x7B2] =	sst s20  }
0x30: {  	s22 =	sadd.s32 $0x380, s7;
	[smem:$0x7B3] =	sst s21  }
0x31: {  	s23 =	sadd.s32 $0x80, s8;
	[smem:$0x7B4] =	sst s22  }
0x32: {  	s24 =	sadd.s32 $0x100, s8;
	[smem:$0x7B5] =	sst s23  }
0x33: {  	s25 =	sadd.s32 $0x180, s8;
	[smem:$0x7B6] =	sst s24  }
0x34: {  	[smem:$0x7B7] =	sst s25;
	s26 =	sadd.s32 $0x200, s8  }
0x35: {  	s28 =	sadd.s32 $0x280, s8;
	[smem:$0x7B8] =	sst s26  }
0x36: {  	s29 =	sadd.s32 $0x300, s8;
	[smem:$0x7B9] =	sst s28  }
0x37: {  	s30 =	sadd.s32 $0x380, s8;
	[smem:$0x7BA] =	sst s29  }
0x38: {  	s31 =	sadd.s32 $0x80, s9;
	[smem:$0x7BB] =	sst s30  }
0x39: {  	s1 =	sadd.s32 $0x100, s9;
	[smem:$0x7BC] =	sst s31  }
0x3a: {  	s19 =	sadd.s32 $0x180, s9;
	[smem:$0x7BD] =	sst s1  }
0x3b: {  	s20 =	sadd.s32 $0x200, s9;
	[smem:$0x7BE] =	sst s19  }
0x3c: {  	s21 =	sadd.s32 $0x280, s9;
	[smem:$0x7BF] =	sst s20  }
0x3d: {  	s22 =	sadd.s32 $0x300, s9;
	[smem:$0x7C0] =	sst s21  }
0x3e: {  	s23 =	sadd.s32 $0x380, s9;
	[smem:$0x7C1] =	sst s22  }
0x3f: {  	s24 =	sadd.s32 $0x80, s10;
	[smem:$0x7C2] =	sst s23  }
0x40: {  	s25 =	sadd.s32 $0x100, s10;
	[smem:$0x7C3] =	sst s24  }
0x41: {  	[smem:$0x7C4] =	sst s25;
	s26 =	sadd.s32 $0x180, s10  }
0x42: {  	s28 =	sadd.s32 $0x200, s10;
	[smem:$0x7C5] =	sst s26  }
0x43: {  	s29 =	sadd.s32 $0x280, s10;
	[smem:$0x7C6] =	sst s28  }
0x44: {  	s30 =	sadd.s32 $0x300, s10;
	[smem:$0x7C7] =	sst s29  }
0x45: {  	s31 =	sadd.s32 $0x380, s10;
	[smem:$0x7C8] =	sst s30  }
0x46: {  	s1 =	sadd.s32 $0x80, s11;
	[smem:$0x7C9] =	sst s31  }
0x47: {  	s19 =	sadd.s32 $0x100, s11;
	[smem:$0x7CA] =	sst s1  }
0x48: {  	s20 =	sadd.s32 $0x180, s11;
	[smem:$0x7CB] =	sst s19  }
0x49: {  	s21 =	sadd.s32 $0x200, s11;
	[smem:$0x7CC] =	sst s20  }
0x4a: {  	s22 =	sadd.s32 $0x280, s11;
	[smem:$0x7CD] =	sst s21  }
0x4b: {  	s23 =	sadd.s32 $0x300, s11;
	[smem:$0x7CE] =	sst s22  }
0x4c: {  	s24 =	sadd.s32 $0x380, s11;
	[smem:$0x7CF] =	sst s23  }
0x4d: {  	s25 =	sadd.s32 $0x80, s12;
	[smem:$0x7D0] =	sst s24  }
0x4e: {  	[smem:$0x7D1] =	sst s25;
	s26 =	sadd.s32 $0x100, s12  }
0x4f: {  	s28 =	sadd.s32 $0x180, s12;
	[smem:$0x7D2] =	sst s26  }
0x50: {  	s29 =	sadd.s32 $0x200, s12;
	[smem:$0x7D3] =	sst s28  }
0x51: {  	s30 =	sadd.s32 $0x280, s12;
	[smem:$0x7D4] =	sst s29  }
0x52: {  	s31 =	sadd.s32 $0x300, s12;
	[smem:$0x7D5] =	sst s30  }
0x53: {  	s1 =	sadd.s32 $0x380, s12;
	[smem:$0x7D6] =	sst s31  }
0x54: {  	s19 =	sadd.s32 $0x80, s13;
	[smem:$0x7D7] =	sst s1  }
0x55: {  	s20 =	sadd.s32 $0x100, s13;
	[smem:$0x7D8] =	sst s19  }
0x56: {  	s21 =	sadd.s32 $0x180, s13;
	[smem:$0x7D9] =	sst s20  }
0x57: {  	s22 =	sadd.s32 $0x200, s13;
	[smem:$0x7DA] =	sst s21  }
0x58: {  	s23 =	sadd.s32 $0x280, s13;
	[smem:$0x7DB] =	sst s22  }
0x59: {  	s24 =	sadd.s32 $0x300, s13;
	[smem:$0x7DC] =	sst s23  }
0x5a: {  	s25 =	sadd.s32 $0x380, s13;
	[smem:$0x7DD] =	sst s24  }
0x5b: {  	[smem:$0x7DE] =	sst s25;
	s26 =	sadd.s32 $0x80, s14  }
0x5c: {  	s28 =	sadd.s32 $0x100, s14;
	[smem:$0x7DF] =	sst s26  }
0x5d: {  	s29 =	sadd.s32 $0x180, s14;
	[smem:$0x7E0] =	sst s28  }
0x5e: {  	s30 =	sadd.s32 $0x200, s14;
	[smem:$0x7E1] =	sst s29  }
0x5f: {  	s31 =	sadd.s32 $0x280, s14;
	[smem:$0x7E2] =	sst s30  }
0x60: {  	s1 =	sadd.s32 $0x300, s14;
	[smem:$0x7E3] =	sst s31  }
0x61: {  	s19 =	sadd.s32 $0x380, s14;
	[smem:$0x7E4] =	sst s1  }
0x62: {  	s20 =	sadd.s32 $0x80, s15;
	[smem:$0x7E5] =	sst s19  }
0x63: {  	s21 =	sadd.s32 $0x100, s15;
	[smem:$0x7E6] =	sst s20  }
0x64: {  	s22 =	sadd.s32 $0x180, s15;
	[smem:$0x7E7] =	sst s21  }
0x65: {  	s23 =	sadd.s32 $0x200, s15;
	[smem:$0x7E8] =	sst s22  }
0x66: {  	s24 =	sadd.s32 $0x280, s15;
	[smem:$0x7E9] =	sst s23  }
0x67: {  	s25 =	sadd.s32 $0x300, s15;
	[smem:$0x7EA] =	sst s24  }
0x68: {  	[smem:$0x7EB] =	sst s25;
	s26 =	sadd.s32 $0x380, s15  }
0x69: {  	s28 =	sadd.s32 $0x80, s16;
	[smem:$0x7EC] =	sst s26  }
0x6a: {  	s29 =	sadd.s32 $0x100, s16;
	[smem:$0x7ED] =	sst s28  }
0x6b: {  	s30 =	sadd.s32 $0x180, s16;
	[smem:$0x7EE] =	sst s29  }
0x6c: {  	s31 =	sadd.s32 $0x200, s16;
	[smem:$0x7EF] =	sst s30  }
0x6d: {  	s1 =	sadd.s32 $0x280, s16;
	[smem:$0x7F0] =	sst s31  }
0x6e: {  	s19 =	sadd.s32 $0x300, s16;
	[smem:$0x7F1] =	sst s1  }
0x6f: {  	s20 =	sadd.s32 $0x380, s16;
	[smem:$0x7F2] =	sst s19  }
0x70: {  	s21 =	sadd.s32 $0x80, s17;
	[smem:$0x7F3] =	sst s20  }
0x71: {  	s22 =	sadd.s32 $0x100, s17;
	[smem:$0x7F4] =	sst s21  }
0x72: {  	s23 =	sadd.s32 $0x180, s17;
	[smem:$0x7F5] =	sst s22  }
0x73: {  	s24 =	sadd.s32 $0x200, s17;
	[smem:$0x7F6] =	sst s23  }
0x74: {  	s25 =	sadd.s32 $0x280, s17;
	[smem:$0x7F7] =	sst s24  }
0x75: {  	[smem:$0x7F8] =	sst s25  }
0x76: {  	s26 =	sadd.s32 $0x300, s17;
	s28 =	sadd.s32 $0x380, s17;
	s29 =	sadd.s32 $0x80, s18  }
0x77: {  	s30 =	sadd.s32 $0x100, s18;
	s31 =	sadd.s32 $0x180, s18;
	[smem:$0x7F9] =	sst s26  }
0x78: {  	s1 =	sadd.s32 $0x200, s18;
	s19 =	sadd.s32 $0x280, s18;
	[smem:$0x7FA] =	sst s28  }
0x79: {  	s20 =	sadd.s32 $0x300, s18;
	s21 =	sadd.s32 $0x380, s18;
	[smem:$0x7FB] =	sst s29  }
0x7a: {  	v1 =	vlaneseq.u32;
	s22 =	simm.s32 $0x1;
	s23 =	simm.s32 $0x4000;
	[smem:$0x7FC] =	sst s30  }
0x7b: {  	v0 =	vimm.s32 $0x0;
	v1 =	vmul.u32 $0x2, v1;
	s24 =	simm.s32 $0x4800;
	s25 =	simm.s32 $0x0;
	[smem:$0x7FD] =	sst s31  }
.LBB2_1:
0x7c: {  	[tilespmem:s2], [sflag:$0x1] =	stream.linear.gather [hbm4b:s3+s2], $0x80, $0x38;
	[tilespmem:$0x5000] =	vst v63  }
0x7d: {  	s0 =	rddreg [dreg:$0x6];
	s26 =	simm.s32 $0x400  }
0x7e: {  	[tilespmem:s26], [sflag:$0x1] =	stream.linear.gather [hbm4b:s0+s2], $0x80, $0x38;
	[tilespmem:$0x5000] =	vst v63  }
0x7f: {  	s0 =	rddreg [dreg:$0x7];
	s26 =	simm.s32 $0x800  }
0x80: {  	[tilespmem:s26], [sflag:$0x1] =	stream.linear.gather [hbm4b:s0+s2], $0x80, $0x38;
	[tilespmem:$0x5000] =	vst v63  }
0x81: {  	s0 =	rddreg [dreg:$0x8];
	s26 =	simm.s32 $0xC00  }
0x82: {  	[tilespmem:s26], [sflag:$0x1] =	stream.linear.gather [hbm4b:s0+s2], $0x80, $0x38;
	[tilespmem:$0x5000] =	vst v63  }
0x83: {  	s0 =	rddreg [dreg:$0x9];
	s26 =	simm.s32 $0x1000  }
0x84: {  	[tilespmem:s26], [sflag:$0x1] =	stream.linear.gather [hbm4b:s0+s2], $0x80, $0x38;
	[tilespmem:$0x5000] =	vst v63  }
0x85: {  	s0 =	rddreg [dreg:$0xa];
	s26 =	simm.s32 $0x1400  }
0x86: {  	[tilespmem:s26], [sflag:$0x1] =	stream.linear.gather [hbm4b:s0+s2], $0x80, $0x38;
	[tilespmem:$0x5000] =	vst v63  }
0x87: {  	s0 =	rddreg [dreg:$0xb];
	s26 =	simm.s32 $0x1800  }
0x88: {  	[tilespmem:s26], [sflag:$0x1] =	stream.linear.gather [hbm4b:s0+s2], $0x80, $0x38;
	[tilespmem:$0x5000] =	vst v63  }
0x89: {  	s0 =	rddreg [dreg:$0xc];
	s26 =	simm.s32 $0x1C00  }
0x8a: {  	[tilespmem:s26], [sflag:$0x1] =	stream.linear.gather [hbm4b:s0+s2], $0x80, $0x38;
	[tilespmem:$0x5000] =	vst v63  }
0x8b: {  	s26 =	simm.s32 $0x2000  }
0x8c: {  	[tilespmem:s26], [sflag:$0x1] =	stream.linear.gather [hbm4b:s4+s2], $0x80, $0x38;
	[tilespmem:$0x5000] =	vst v63  }
0x8d: {  	s0 =	rddreg [dreg:$0xd];
	s26 =	simm.s32 $0x2400  }
0x8e: {  	[tilespmem:s26], [sflag:$0x1] =	stream.linear.gather [hbm4b:s0+s2], $0x80, $0x38;
	[tilespmem:$0x5000] =	vst v63  }
0x8f: {  	s0 =	rddreg [dreg:$0xe];
	s26 =	simm.s32 $0x2800  }
0x90: {  	[tilespmem:s26], [sflag:$0x1] =	stream.linear.gather [hbm4b:s0+s2], $0x80, $0x38;
	[tilespmem:$0x5000] =	vst v63  }
0x91: {  	s0 =	rddreg [dreg:$0xf];
	s26 =	simm.s32 $0x2C00  }
0x92: {  	[tilespmem:s26], [sflag:$0x1] =	stream.linear.gather [hbm4b:s0+s2], $0x80, $0x38;
	[tilespmem:$0x5000] =	vst v63  }
0x93: {  	s0 =	rddreg [dreg:$0x10];
	s26 =	simm.s32 $0x3000  }
0x94: {  	[tilespmem:s26], [sflag:$0x1] =	stream.linear.gather [hbm4b:s0+s2], $0x80, $0x38;
	[tilespmem:$0x5000] =	vst v63  }
0x95: {  	s0 =	rddreg [dreg:$0x11];
	s26 =	simm.s32 $0x3400  }
0x96: {  	[tilespmem:s26], [sflag:$0x1] =	stream.linear.gather [hbm4b:s0+s2], $0x80, $0x38;
	[tilespmem:$0x5000] =	vst v63  }
0x97: {  	s0 =	rddreg [dreg:$0x12];
	s26 =	simm.s32 $0x3800  }
0x98: {  	[tilespmem:s26], [sflag:$0x1] =	stream.linear.gather [hbm4b:s0+s2], $0x80, $0x38;
	[tilespmem:$0x5000] =	vst v63  }
0x99: {  	s0 =	rddreg [dreg:$0x13];
	s26 =	simm.s32 $0x3C00  }
0x9a: {  	[tilespmem:s26], [sflag:$0x1] =	stream.linear.gather [hbm4b:s0+s2], $0x80, $0x38;
	[tilespmem:$0x5000] =	vst v63  }
0x9b: {  	s26 =	simm.s32 $0x80  }
0x9c: {  	[tilespmem:s26], [sflag:$0x1] =	stream.linear.gather [hbm4b:s5+s2], $0x80, $0x38;
	[tilespmem:$0x5000] =	vst v63  }
0x9d: {  	s0 =	rddreg [dreg:$0x14];
	s26 =	simm.s32 $0x480  }
0x9e: {  	[tilespmem:s26], [sflag:$0x1] =	stream.linear.gather [hbm4b:s0+s2], $0x80, $0x38;
	[tilespmem:$0x5000] =	vst v63  }
0x9f: {  	s0 =	rddreg [dreg:$0x15];
	s26 =	simm.s32 $0x880  }
0xa0: {  	[tilespmem:s26], [sflag:$0x1] =	stream.linear.gather [hbm4b:s0+s2], $0x80, $0x38;
	[tilespmem:$0x5000] =	vst v63  }
0xa1: {  	s0 =	rddreg [dreg:$0x16];
	s26 =	simm.s32 $0xC80  }
0xa2: {  	[tilespmem:s26], [sflag:$0x1] =	stream.linear.gather [hbm4b:s0+s2], $0x80, $0x38;
	[tilespmem:$0x5000] =	vst v63  }
0xa3: {  	s0 =	rddreg [dreg:$0x17];
	s26 =	simm.s32 $0x1080  }
0xa4: {  	[tilespmem:s26], [sflag:$0x1] =	stream.linear.gather [hbm4b:s0+s2], $0x80, $0x38;
	[tilespmem:$0x5000] =	vst v63  }
0xa5: {  	s0 =	rddreg [dreg:$0x18];
	s26 =	simm.s32 $0x1480  }
0xa6: {  	[tilespmem:s26], [sflag:$0x1] =	stream.linear.gather [hbm4b:s0+s2], $0x80, $0x38;
	[tilespmem:$0x5000] =	vst v63  }
0xa7: {  	s0 =	rddreg [dreg:$0x19];
	s26 =	simm.s32 $0x1880  }
0xa8: {  	[tilespmem:s26], [sflag:$0x1] =	stream.linear.gather [hbm4b:s0+s2], $0x80, $0x38;
	[tilespmem:$0x5000] =	vst v63  }
0xa9: {  	s0 =	rddreg [dreg:$0x1a];
	s26 =	simm.s32 $0x1C80  }
0xaa: {  	[tilespmem:s26], [sflag:$0x1] =	stream.linear.gather [hbm4b:s0+s2], $0x80, $0x38;
	[tilespmem:$0x5000] =	vst v63  }
0xab: {  	s26 =	simm.s32 $0x2080  }
0xac: {  	[tilespmem:s26], [sflag:$0x1] =	stream.linear.gather [hbm4b:s6+s2], $0x80, $0x38;
	[tilespmem:$0x5000] =	vst v63  }
0xad: {  	s0 =	rddreg [dreg:$0x1b];
	s26 =	simm.s32 $0x2480  }
0xae: {  	[tilespmem:s26], [sflag:$0x1] =	stream.linear.gather [hbm4b:s0+s2], $0x80, $0x38;
	[tilespmem:$0x5000] =	vst v63  }
0xaf: {  	s0 =	rddreg [dreg:$0x1c];
	s26 =	simm.s32 $0x2880  }
0xb0: {  	[tilespmem:s26], [sflag:$0x1] =	stream.linear.gather [hbm4b:s0+s2], $0x80, $0x38;
	[tilespmem:$0x5000] =	vst v63  }
0xb1: {  	s0 =	rddreg [dreg:$0x1d];
	s26 =	simm.s32 $0x2C80  }
0xb2: {  	[tilespmem:s26], [sflag:$0x1] =	stream.linear.gather [hbm4b:s0+s2], $0x80, $0x38;
	[tilespmem:$0x5000] =	vst v63  }
0xb3: {  	s0 =	rddreg [dreg:$0x1e];
	s26 =	simm.s32 $0x3080  }
0xb4: {  	[tilespmem:s26], [sflag:$0x1] =	stream.linear.gather [hbm4b:s0+s2], $0x80, $0x38;
	[tilespmem:$0x5000] =	vst v63  }
0xb5: {  	s0 =	rddreg [dreg:$0x1f];
	s26 =	simm.s32 $0x3480  }
0xb6: {  	[tilespmem:s26], [sflag:$0x1] =	stream.linear.gather [hbm4b:s0+s2], $0x80, $0x38;
	[tilespmem:$0x5000] =	vst v63  }
0xb7: {  	s0 =	sld [smem:$0x7AC];
	_ =	sdelay $0x1  }
0xb8: {  	s26 =	simm.s32 $0x3880  }
0xb9: {  	[tilespmem:s26], [sflag:$0x1] =	stream.linear.gather [hbm4b:s0+s2], $0x80, $0x38;
	[tilespmem:$0x5000] =	vst v63  }
0xba: {  	s0 =	sld [smem:$0x7AD];
	_ =	sdelay $0x1  }
0xbb: {  	s26 =	simm.s32 $0x3C80  }
0xbc: {  	[tilespmem:s26], [sflag:$0x1] =	stream.linear.gather [hbm4b:s0+s2], $0x80, $0x38;
	[tilespmem:$0x5000] =	vst v63  }
0xbd: {  	s26 =	simm.s32 $0x100;
	s0 =	sld [smem:$0x7AE]  }
0xbe: {  	[tilespmem:s26], [sflag:$0x1] =	stream.linear.gather [hbm4b:s7+s2], $0x80, $0x38;
	[tilespmem:$0x5000] =	vst v63  }
0xbf: {  	s26 =	simm.s32 $0x500  }
0xc0: {  	[tilespmem:s26], [sflag:$0x1] =	stream.linear.gather [hbm4b:s0+s2], $0x80, $0x38;
	[tilespmem:$0x5000] =	vst v63  }
0xc1: {  	s0 =	sld [smem:$0x7AF];
	_ =	sdelay $0x1  }
0xc2: {  	s26 =	simm.s32 $0x900  }
0xc3: {  	[tilespmem:s26], [sflag:$0x1] =	stream.linear.gather [hbm4b:s0+s2], $0x80, $0x38;
	[tilespmem:$0x5000] =	vst v63  }
0xc4: {  	s0 =	sld [smem:$0x7B0];
	_ =	sdelay $0x1  }
0xc5: {  	s26 =	simm.s32 $0xD00  }
0xc6: {  	[tilespmem:s26], [sflag:$0x1] =	stream.linear.gather [hbm4b:s0+s2], $0x80, $0x38;
	[tilespmem:$0x5000] =	vst v63  }
0xc7: {  	s0 =	sld [smem:$0x7B1];
	_ =	sdelay $0x1  }
0xc8: {  	s26 =	simm.s32 $0x1100  }
0xc9: {  	[tilespmem:s26], [sflag:$0x1] =	stream.linear.gather [hbm4b:s0+s2], $0x80, $0x38;
	[tilespmem:$0x5000] =	vst v63  }
0xca: {  	s0 =	sld [smem:$0x7B2];
	_ =	sdelay $0x1  }
0xcb: {  	s26 =	simm.s32 $0x1500  }
0xcc: {  	[tilespmem:s26], [sflag:$0x1] =	stream.linear.gather [hbm4b:s0+s2], $0x80, $0x38;
	[tilespmem:$0x5000] =	vst v63  }
0xcd: {  	s0 =	sld [smem:$0x7B3];
	_ =	sdelay $0x1  }
0xce: {  	s26 =	simm.s32 $0x1900  }
0xcf: {  	[tilespmem:s26], [sflag:$0x1] =	stream.linear.gather [hbm4b:s0+s2], $0x80, $0x38;
	[tilespmem:$0x5000] =	vst v63  }
0xd0: {  	s0 =	sld [smem:$0x7B4];
	_ =	sdelay $0x1  }
0xd1: {  	s26 =	simm.s32 $0x1D00  }
0xd2: {  	[tilespmem:s26], [sflag:$0x1] =	stream.linear.gather [hbm4b:s0+s2], $0x80, $0x38;
	[tilespmem:$0x5000] =	vst v63  }
0xd3: {  	s26 =	simm.s32 $0x2100;
	s0 =	sld [smem:$0x7B5]  }
0xd4: {  	[tilespmem:s26], [sflag:$0x1] =	stream.linear.gather [hbm4b:s8+s2], $0x80, $0x38;
	[tilespmem:$0x5000] =	vst v63  }
0xd5: {  	s26 =	simm.s32 $0x2500  }
0xd6: {  	[tilespmem:s26], [sflag:$0x1] =	stream.linear.gather [hbm4b:s0+s2], $0x80, $0x38;
	[tilespmem:$0x5000] =	vst v63  }
0xd7: {  	s0 =	sld [smem:$0x7B6];
	_ =	sdelay $0x1  }
0xd8: {  	s26 =	simm.s32 $0x2900  }
0xd9: {  	[tilespmem:s26], [sflag:$0x1] =	stream.linear.gather [hbm4b:s0+s2], $0x80, $0x38;
	[tilespmem:$0x5000] =	vst v63  }
0xda: {  	s0 =	sld [smem:$0x7B7];
	_ =	sdelay $0x1  }
0xdb: {  	s26 =	simm.s32 $0x2D00  }
0xdc: {  	[tilespmem:s26], [sflag:$0x1] =	stream.linear.gather [hbm4b:s0+s2], $0x80, $0x38;
	[tilespmem:$0x5000] =	vst v63  }
0xdd: {  	s0 =	sld [smem:$0x7B8];
	_ =	sdelay $0x1  }
0xde: {  	s26 =	simm.s32 $0x3100  }
0xdf: {  	[tilespmem:s26], [sflag:$0x1] =	stream.linear.gather [hbm4b:s0+s2], $0x80, $0x38;
	[tilespmem:$0x5000] =	vst v63  }
0xe0: {  	s0 =	sld [smem:$0x7B9];
	_ =	sdelay $0x1  }
0xe1: {  	s26 =	simm.s32 $0x3500  }
0xe2: {  	[tilespmem:s26], [sflag:$0x1] =	stream.linear.gather [hbm4b:s0+s2], $0x80, $0x38;
	[tilespmem:$0x5000] =	vst v63  }
0xe3: {  	s0 =	sld [smem:$0x7BA];
	_ =	sdelay $0x1  }
0xe4: {  	s26 =	simm.s32 $0x3900  }
0xe5: {  	[tilespmem:s26], [sflag:$0x1] =	stream.linear.gather [hbm4b:s0+s2], $0x80, $0x38;
	[tilespmem:$0x5000] =	vst v63  }
0xe6: {  	s0 =	sld [smem:$0x7BB];
	_ =	sdelay $0x1  }
0xe7: {  	s26 =	simm.s32 $0x3D00  }
0xe8: {  	[tilespmem:s26], [sflag:$0x1] =	stream.linear.gather [hbm4b:s0+s2], $0x80, $0x38;
	[tilespmem:$0x5000] =	vst v63  }
0xe9: {  	s26 =	simm.s32 $0x180;
	s0 =	sld [smem:$0x7BC]  }
0xea: {  	[tilespmem:s26], [sflag:$0x1] =	stream.linear.gather [hbm4b:s9+s2], $0x80, $0x38;
	[tilespmem:$0x5000] =	vst v63  }
0xeb: {  	s26 =	simm.s32 $0x580  }
0xec: {  	[tilespmem:s26], [sflag:$0x1] =	stream.linear.gather [hbm4b:s0+s2], $0x80, $0x38;
	[tilespmem:$0x5000] =	vst v63  }
0xed: {  	s0 =	sld [smem:$0x7BD];
	_ =	sdelay $0x1  }
0xee: {  	s26 =	simm.s32 $0x980  }
0xef: {  	[tilespmem:s26], [sflag:$0x1] =	stream.linear.gather [hbm4b:s0+s2], $0x80, $0x38;
	[tilespmem:$0x5000] =	vst v63  }
0xf0: {  	s0 =	sld [smem:$0x7BE];
	_ =	sdelay $0x1  }
0xf1: {  	s26 =	simm.s32 $0xD80  }
0xf2: {  	[tilespmem:s26], [sflag:$0x1] =	stream.linear.gather [hbm4b:s0+s2], $0x80, $0x38;
	[tilespmem:$0x5000] =	vst v63  }
0xf3: {  	s0 =	sld [smem:$0x7BF];
	_ =	sdelay $0x1  }
0xf4: {  	s26 =	simm.s32 $0x1180  }
0xf5: {  	[tilespmem:s26], [sflag:$0x1] =	stream.linear.gather [hbm4b:s0+s2], $0x80, $0x38;
	[tilespmem:$0x5000] =	vst v63  }
0xf6: {  	s0 =	sld [smem:$0x7C0];
	_ =	sdelay $0x1  }
0xf7: {  	s26 =	simm.s32 $0x1580  }
0xf8: {  	[tilespmem:s26], [sflag:$0x1] =	stream.linear.gather [hbm4b:s0+s2], $0x80, $0x38;
	[tilespmem:$0x5000] =	vst v63  }
0xf9: {  	s0 =	sld [smem:$0x7C1];
	_ =	sdelay $0x1  }
0xfa: {  	s26 =	simm.s32 $0x1980  }
0xfb: {  	[tilespmem:s26], [sflag:$0x1] =	stream.linear.gather [hbm4b:s0+s2], $0x80, $0x38;
	[tilespmem:$0x5000] =	vst v63  }
0xfc: {  	s0 =	sld [smem:$0x7C2];
	_ =	sdelay $0x1  }
0xfd: {  	s26 =	simm.s32 $0x1D80  }
0xfe: {  	[tilespmem:s26], [sflag:$0x1] =	stream.linear.gather [hbm4b:s0+s2], $0x80, $0x38;
	[tilespmem:$0x5000] =	vst v63  }
0xff: {  	s26 =	simm.s32 $0x2180;
	s0 =	sld [smem:$0x7C3]  }
0x100: {  	[tilespmem:s26], [sflag:$0x1] =	stream.linear.gather [hbm4b:s10+s2], $0x80, $0x38;
	[tilespmem:$0x5000] =	vst v63  }
0x101: {  	s26 =	simm.s32 $0x2580  }
0x102: {  	[tilespmem:s26], [sflag:$0x1] =	stream.linear.gather [hbm4b:s0+s2], $0x80, $0x38;
	[tilespmem:$0x5000] =	vst v63  }
0x103: {  	s0 =	sld [smem:$0x7C4];
	_ =	sdelay $0x1  }
0x104: {  	s26 =	simm.s32 $0x2980  }
0x105: {  	[tilespmem:s26], [sflag:$0x1] =	stream.linear.gather [hbm4b:s0+s2], $0x80, $0x38;
	[tilespmem:$0x5000] =	vst v63  }
0x106: {  	s0 =	sld [smem:$0x7C5];
	_ =	sdelay $0x1  }
0x107: {  	s26 =	simm.s32 $0x2D80  }
0x108: {  	[tilespmem:s26], [sflag:$0x1] =	stream.linear.gather [hbm4b:s0+s2], $0x80, $0x38;
	[tilespmem:$0x5000] =	vst v63  }
0x109: {  	s0 =	sld [smem:$0x7C6];
	_ =	sdelay $0x1  }
0x10a: {  	s26 =	simm.s32 $0x3180  }
0x10b: {  	[tilespmem:s26], [sflag:$0x1] =	stream.linear.gather [hbm4b:s0+s2], $0x80, $0x38;
	[tilespmem:$0x5000] =	vst v63  }
0x10c: {  	s0 =	sld [smem:$0x7C7];
	_ =	sdelay $0x1  }
0x10d: {  	s26 =	simm.s32 $0x3580  }
0x10e: {  	[tilespmem:s26], [sflag:$0x1] =	stream.linear.gather [hbm4b:s0+s2], $0x80, $0x38;
	[tilespmem:$0x5000] =	vst v63  }
0x10f: {  	s0 =	sld [smem:$0x7C8];
	_ =	sdelay $0x1  }
0x110: {  	s26 =	simm.s32 $0x3980  }
0x111: {  	[tilespmem:s26], [sflag:$0x1] =	stream.linear.gather [hbm4b:s0+s2], $0x80, $0x38;
	[tilespmem:$0x5000] =	vst v63  }
0x112: {  	s0 =	sld [smem:$0x7C9];
	_ =	sdelay $0x1  }
0x113: {  	s26 =	simm.s32 $0x3D80  }
0x114: {  	[tilespmem:s26], [sflag:$0x1] =	stream.linear.gather [hbm4b:s0+s2], $0x80, $0x38;
	[tilespmem:$0x5000] =	vst v63  }
0x115: {  	s26 =	simm.s32 $0x200;
	s0 =	sld [smem:$0x7CA]  }
0x116: {  	[tilespmem:s26], [sflag:$0x1] =	stream.linear.gather [hbm4b:s11+s2], $0x80, $0x38;
	[tilespmem:$0x5000] =	vst v63  }
0x117: {  	s26 =	simm.s32 $0x600  }
0x118: {  	[tilespmem:s26], [sflag:$0x1] =	stream.linear.gather [hbm4b:s0+s2], $0x80, $0x38;
	[tilespmem:$0x5000] =	vst v63  }
0x119: {  	s0 =	sld [smem:$0x7CB];
	_ =	sdelay $0x1  }
0x11a: {  	s26 =	simm.s32 $0xA00  }
0x11b: {  	[tilespmem:s26], [sflag:$0x1] =	stream.linear.gather [hbm4b:s0+s2], $0x80, $0x38;
	[tilespmem:$0x5000] =	vst v63  }
0x11c: {  	s0 =	sld [smem:$0x7CC];
	_ =	sdelay $0x1  }
0x11d: {  	s26 =	simm.s32 $0xE00  }
0x11e: {  	[tilespmem:s26], [sflag:$0x1] =	stream.linear.gather [hbm4b:s0+s2], $0x80, $0x38;
	[tilespmem:$0x5000] =	vst v63  }
0x11f: {  	s0 =	sld [smem:$0x7CD];
	_ =	sdelay $0x1  }
0x120: {  	s26 =	simm.s32 $0x1200  }
0x121: {  	[tilespmem:s26], [sflag:$0x1] =	stream.linear.gather [hbm4b:s0+s2], $0x80, $0x38;
	[tilespmem:$0x5000] =	vst v63  }
0x122: {  	s0 =	sld [smem:$0x7CE];
	_ =	sdelay $0x1  }
0x123: {  	s26 =	simm.s32 $0x1600  }
0x124: {  	[tilespmem:s26], [sflag:$0x1] =	stream.linear.gather [hbm4b:s0+s2], $0x80, $0x38;
	[tilespmem:$0x5000] =	vst v63  }
0x125: {  	s0 =	sld [smem:$0x7CF];
	_ =	sdelay $0x1  }
0x126: {  	s26 =	simm.s32 $0x1A00  }
0x127: {  	[tilespmem:s26], [sflag:$0x1] =	stream.linear.gather [hbm4b:s0+s2], $0x80, $0x38;
	[tilespmem:$0x5000] =	vst v63  }
0x128: {  	s0 =	sld [smem:$0x7D0];
	_ =	sdelay $0x1  }
0x129: {  	s26 =	simm.s32 $0x1E00  }
0x12a: {  	[tilespmem:s26], [sflag:$0x1] =	stream.linear.gather [hbm4b:s0+s2], $0x80, $0x38;
	[tilespmem:$0x5000] =	vst v63  }
0x12b: {  	s26 =	simm.s32 $0x2200;
	s0 =	sld [smem:$0x7D1]  }
0x12c: {  	[tilespmem:s26], [sflag:$0x1] =	stream.linear.gather [hbm4b:s12+s2], $0x80, $0x38;
	[tilespmem:$0x5000] =	vst v63  }
0x12d: {  	s26 =	simm.s32 $0x2600  }
0x12e: {  	[tilespmem:s26], [sflag:$0x1] =	stream.linear.gather [hbm4b:s0+s2], $0x80, $0x38;
	[tilespmem:$0x5000] =	vst v63  }
0x12f: {  	s0 =	sld [smem:$0x7D2];
	_ =	sdelay $0x1  }
0x130: {  	s26 =	simm.s32 $0x2A00  }
0x131: {  	[tilespmem:s26], [sflag:$0x1] =	stream.linear.gather [hbm4b:s0+s2], $0x80, $0x38;
	[tilespmem:$0x5000] =	vst v63  }
0x132: {  	s0 =	sld [smem:$0x7D3];
	_ =	sdelay $0x1  }
0x133: {  	s26 =	simm.s32 $0x2E00  }
0x134: {  	[tilespmem:s26], [sflag:$0x1] =	stream.linear.gather [hbm4b:s0+s2], $0x80, $0x38;
	[tilespmem:$0x5000] =	vst v63  }
0x135: {  	s0 =	sld [smem:$0x7D4];
	_ =	sdelay $0x1  }
0x136: {  	s26 =	simm.s32 $0x3200  }
0x137: {  	[tilespmem:s26], [sflag:$0x1] =	stream.linear.gather [hbm4b:s0+s2], $0x80, $0x38;
	[tilespmem:$0x5000] =	vst v63  }
0x138: {  	s0 =	sld [smem:$0x7D5];
	_ =	sdelay $0x1  }
0x139: {  	s26 =	simm.s32 $0x3600  }
0x13a: {  	[tilespmem:s26], [sflag:$0x1] =	stream.linear.gather [hbm4b:s0+s2], $0x80, $0x38;
	[tilespmem:$0x5000] =	vst v63  }
0x13b: {  	s0 =	sld [smem:$0x7D6];
	_ =	sdelay $0x1  }
0x13c: {  	s26 =	simm.s32 $0x3A00  }
0x13d: {  	[tilespmem:s26], [sflag:$0x1] =	stream.linear.gather [hbm4b:s0+s2], $0x80, $0x38;
	[tilespmem:$0x5000] =	vst v63  }
0x13e: {  	s0 =	sld [smem:$0x7D7];
	_ =	sdelay $0x1  }
0x13f: {  	s26 =	simm.s32 $0x3E00  }
0x140: {  	[tilespmem:s26], [sflag:$0x1] =	stream.linear.gather [hbm4b:s0+s2], $0x80, $0x38;
	[tilespmem:$0x5000] =	vst v63  }
0x141: {  	s26 =	simm.s32 $0x280;
	s0 =	sld [smem:$0x7D8]  }
0x142: {  	[tilespmem:s26], [sflag:$0x1] =	stream.linear.gather [hbm4b:s13+s2], $0x80, $0x38;
	[tilespmem:$0x5000] =	vst v63  }
0x143: {  	s26 =	simm.s32 $0x680  }
0x144: {  	[tilespmem:s26], [sflag:$0x1] =	stream.linear.gather [hbm4b:s0+s2], $0x80, $0x38;
	[tilespmem:$0x5000] =	vst v63  }
0x145: {  	s0 =	sld [smem:$0x7D9];
	_ =	sdelay $0x1  }
0x146: {  	s26 =	simm.s32 $0xA80  }
0x147: {  	[tilespmem:s26], [sflag:$0x1] =	stream.linear.gather [hbm4b:s0+s2], $0x80, $0x38;
	[tilespmem:$0x5000] =	vst v63  }
0x148: {  	s0 =	sld [smem:$0x7DA];
	_ =	sdelay $0x1  }
0x149: {  	s26 =	simm.s32 $0xE80  }
0x14a: {  	[tilespmem:s26], [sflag:$0x1] =	stream.linear.gather [hbm4b:s0+s2], $0x80, $0x38;
	[tilespmem:$0x5000] =	vst v63  }
0x14b: {  	s0 =	sld [smem:$0x7DB];
	_ =	sdelay $0x1  }
0x14c: {  	s26 =	simm.s32 $0x1280  }
0x14d: {  	[tilespmem:s26], [sflag:$0x1] =	stream.linear.gather [hbm4b:s0+s2], $0x80, $0x38;
	[tilespmem:$0x5000] =	vst v63  }
0x14e: {  	s0 =	sld [smem:$0x7DC];
	_ =	sdelay $0x1  }
0x14f: {  	s26 =	simm.s32 $0x1680  }
0x150: {  	[tilespmem:s26], [sflag:$0x1] =	stream.linear.gather [hbm4b:s0+s2], $0x80, $0x38;
	[tilespmem:$0x5000] =	vst v63  }
0x151: {  	s0 =	sld [smem:$0x7DD];
	_ =	sdelay $0x1  }
0x152: {  	s26 =	simm.s32 $0x1A80  }
0x153: {  	[tilespmem:s26], [sflag:$0x1] =	stream.linear.gather [hbm4b:s0+s2], $0x80, $0x38;
	[tilespmem:$0x5000] =	vst v63  }
0x154: {  	s0 =	sld [smem:$0x7DE];
	_ =	sdelay $0x1  }
0x155: {  	s26 =	simm.s32 $0x1E80  }
0x156: {  	[tilespmem:s26], [sflag:$0x1] =	stream.linear.gather [hbm4b:s0+s2], $0x80, $0x38;
	[tilespmem:$0x5000] =	vst v63  }
0x157: {  	s26 =	simm.s32 $0x2280;
	s0 =	sld [smem:$0x7DF]  }
0x158: {  	[tilespmem:s26], [sflag:$0x1] =	stream.linear.gather [hbm4b:s14+s2], $0x80, $0x38;
	[tilespmem:$0x5000] =	vst v63  }
0x159: {  	s26 =	simm.s32 $0x2680  }
0x15a: {  	[tilespmem:s26], [sflag:$0x1] =	stream.linear.gather [hbm4b:s0+s2], $0x80, $0x38;
	[tilespmem:$0x5000] =	vst v63  }
0x15b: {  	s0 =	sld [smem:$0x7E0];
	_ =	sdelay $0x1  }
0x15c: {  	s26 =	simm.s32 $0x2A80  }
0x15d: {  	[tilespmem:s26], [sflag:$0x1] =	stream.linear.gather [hbm4b:s0+s2], $0x80, $0x38;
	[tilespmem:$0x5000] =	vst v63  }
0x15e: {  	s0 =	sld [smem:$0x7E1];
	_ =	sdelay $0x1  }
0x15f: {  	s26 =	simm.s32 $0x2E80  }
0x160: {  	[tilespmem:s26], [sflag:$0x1] =	stream.linear.gather [hbm4b:s0+s2], $0x80, $0x38;
	[tilespmem:$0x5000] =	vst v63  }
0x161: {  	s0 =	sld [smem:$0x7E2];
	_ =	sdelay $0x1  }
0x162: {  	s26 =	simm.s32 $0x3280  }
0x163: {  	[tilespmem:s26], [sflag:$0x1] =	stream.linear.gather [hbm4b:s0+s2], $0x80, $0x38;
	[tilespmem:$0x5000] =	vst v63  }
0x164: {  	s0 =	sld [smem:$0x7E3];
	_ =	sdelay $0x1  }
0x165: {  	s26 =	simm.s32 $0x3680  }
0x166: {  	[tilespmem:s26], [sflag:$0x1] =	stream.linear.gather [hbm4b:s0+s2], $0x80, $0x38;
	[tilespmem:$0x5000] =	vst v63  }
0x167: {  	s0 =	sld [smem:$0x7E4];
	_ =	sdelay $0x1  }
0x168: {  	s26 =	simm.s32 $0x3A80  }
0x169: {  	[tilespmem:s26], [sflag:$0x1] =	stream.linear.gather [hbm4b:s0+s2], $0x80, $0x38;
	[tilespmem:$0x5000] =	vst v63  }
0x16a: {  	s0 =	sld [smem:$0x7E5];
	_ =	sdelay $0x1  }
0x16b: {  	s26 =	simm.s32 $0x3E80  }
0x16c: {  	[tilespmem:s26], [sflag:$0x1] =	stream.linear.gather [hbm4b:s0+s2], $0x80, $0x38;
	[tilespmem:$0x5000] =	vst v63  }
0x16d: {  	s26 =	simm.s32 $0x300;
	s0 =	sld [smem:$0x7E6]  }
0x16e: {  	[tilespmem:s26], [sflag:$0x1] =	stream.linear.gather [hbm4b:s15+s2], $0x80, $0x38;
	[tilespmem:$0x5000] =	vst v63  }
0x16f: {  	s26 =	simm.s32 $0x700  }
0x170: {  	[tilespmem:s26], [sflag:$0x1] =	stream.linear.gather [hbm4b:s0+s2], $0x80, $0x38;
	[tilespmem:$0x5000] =	vst v63  }
0x171: {  	s0 =	sld [smem:$0x7E7];
	_ =	sdelay $0x1  }
0x172: {  	s26 =	simm.s32 $0xB00  }
0x173: {  	[tilespmem:s26], [sflag:$0x1] =	stream.linear.gather [hbm4b:s0+s2], $0x80, $0x38;
	[tilespmem:$0x5000] =	vst v63  }
0x174: {  	s0 =	sld [smem:$0x7E8];
	_ =	sdelay $0x1  }
0x175: {  	s26 =	simm.s32 $0xF00  }
0x176: {  	[tilespmem:s26], [sflag:$0x1] =	stream.linear.gather [hbm4b:s0+s2], $0x80, $0x38;
	[tilespmem:$0x5000] =	vst v63  }
0x177: {  	s0 =	sld [smem:$0x7E9];
	_ =	sdelay $0x1  }
0x178: {  	s26 =	simm.s32 $0x1300  }
0x179: {  	[tilespmem:s26], [sflag:$0x1] =	stream.linear.gather [hbm4b:s0+s2], $0x80, $0x38;
	[tilespmem:$0x5000] =	vst v63  }
0x17a: {  	s0 =	sld [smem:$0x7EA];
	_ =	sdelay $0x1  }
0x17b: {  	s26 =	simm.s32 $0x1700  }
0x17c: {  	[tilespmem:s26], [sflag:$0x1] =	stream.linear.gather [hbm4b:s0+s2], $0x80, $0x38;
	[tilespmem:$0x5000] =	vst v63  }
0x17d: {  	s0 =	sld [smem:$0x7EB];
	_ =	sdelay $0x1  }
0x17e: {  	s26 =	simm.s32 $0x1B00  }
0x17f: {  	[tilespmem:s26], [sflag:$0x1] =	stream.linear.gather [hbm4b:s0+s2], $0x80, $0x38;
	[tilespmem:$0x5000] =	vst v63  }
0x180: {  	s0 =	sld [smem:$0x7EC];
	_ =	sdelay $0x1  }
0x181: {  	s26 =	simm.s32 $0x1F00  }
0x182: {  	[tilespmem:s26], [sflag:$0x1] =	stream.linear.gather [hbm4b:s0+s2], $0x80, $0x38;
	[tilespmem:$0x5000] =	vst v63  }
0x183: {  	s26 =	simm.s32 $0x2300;
	s0 =	sld [smem:$0x7ED]  }
0x184: {  	[tilespmem:s26], [sflag:$0x1] =	stream.linear.gather [hbm4b:s16+s2], $0x80, $0x38;
	[tilespmem:$0x5000] =	vst v63  }
0x185: {  	s26 =	simm.s32 $0x2700  }
0x186: {  	[tilespmem:s26], [sflag:$0x1] =	stream.linear.gather [hbm4b:s0+s2], $0x80, $0x38;
	[tilespmem:$0x5000] =	vst v63  }
0x187: {  	s0 =	sld [smem:$0x7EE];
	_ =	sdelay $0x1  }
0x188: {  	s26 =	simm.s32 $0x2B00  }
0x189: {  	[tilespmem:s26], [sflag:$0x1] =	stream.linear.gather [hbm4b:s0+s2], $0x80, $0x38;
	[tilespmem:$0x5000] =	vst v63  }
0x18a: {  	s0 =	sld [smem:$0x7EF];
	_ =	sdelay $0x1  }
0x18b: {  	s26 =	simm.s32 $0x2F00  }
0x18c: {  	[tilespmem:s26], [sflag:$0x1] =	stream.linear.gather [hbm4b:s0+s2], $0x80, $0x38;
	[tilespmem:$0x5000] =	vst v63  }
0x18d: {  	s0 =	sld [smem:$0x7F0];
	_ =	sdelay $0x1  }
0x18e: {  	s26 =	simm.s32 $0x3300  }
0x18f: {  	[tilespmem:s26], [sflag:$0x1] =	stream.linear.gather [hbm4b:s0+s2], $0x80, $0x38;
	[tilespmem:$0x5000] =	vst v63  }
0x190: {  	s0 =	sld [smem:$0x7F1];
	_ =	sdelay $0x1  }
0x191: {  	s26 =	simm.s32 $0x3700  }
0x192: {  	[tilespmem:s26], [sflag:$0x1] =	stream.linear.gather [hbm4b:s0+s2], $0x80, $0x38;
	[tilespmem:$0x5000] =	vst v63  }
0x193: {  	s0 =	sld [smem:$0x7F2];
	_ =	sdelay $0x1  }
0x194: {  	s26 =	simm.s32 $0x3B00  }
0x195: {  	[tilespmem:s26], [sflag:$0x1] =	stream.linear.gather [hbm4b:s0+s2], $0x80, $0x38;
	[tilespmem:$0x5000] =	vst v63  }
0x196: {  	s0 =	sld [smem:$0x7F3];
	_ =	sdelay $0x1  }
0x197: {  	s26 =	simm.s32 $0x3F00  }
0x198: {  	[tilespmem:s26], [sflag:$0x1] =	stream.linear.gather [hbm4b:s0+s2], $0x80, $0x38;
	[tilespmem:$0x5000] =	vst v63  }
0x199: {  	s26 =	simm.s32 $0x380;
	s0 =	sld [smem:$0x7F4]  }
0x19a: {  	[tilespmem:s26], [sflag:$0x1] =	stream.linear.gather [hbm4b:s17+s2], $0x80, $0x38;
	[tilespmem:$0x5000] =	vst v63  }
0x19b: {  	s26 =	simm.s32 $0x780  }
0x19c: {  	[tilespmem:s26], [sflag:$0x1] =	stream.linear.gather [hbm4b:s0+s2], $0x80, $0x38;
	[tilespmem:$0x5000] =	vst v63  }
0x19d: {  	s0 =	sld [smem:$0x7F5];
	_ =	sdelay $0x1  }
0x19e: {  	s26 =	simm.s32 $0xB80  }
0x19f: {  	[tilespmem:s26], [sflag:$0x1] =	stream.linear.gather [hbm4b:s0+s2], $0x80, $0x38;
	[tilespmem:$0x5000] =	vst v63  }
0x1a0: {  	s0 =	sld [smem:$0x7F6];
	_ =	sdelay $0x1  }
0x1a1: {  	s26 =	simm.s32 $0xF80  }
0x1a2: {  	[tilespmem:s26], [sflag:$0x1] =	stream.linear.gather [hbm4b:s0+s2], $0x80, $0x38;
	[tilespmem:$0x5000] =	vst v63  }
0x1a3: {  	s0 =	sld [smem:$0x7F7];
	_ =	sdelay $0x1  }
0x1a4: {  	s26 =	simm.s32 $0x1380  }
0x1a5: {  	[tilespmem:s26], [sflag:$0x1] =	stream.linear.gather [hbm4b:s0+s2], $0x80, $0x38;
	[tilespmem:$0x5000] =	vst v63  }
0x1a6: {  	s0 =	sld [smem:$0x7F8];
	_ =	sdelay $0x1  }
0x1a7: {  	s26 =	simm.s32 $0x1780  }
0x1a8: {  	[tilespmem:s26], [sflag:$0x1] =	stream.linear.gather [hbm4b:s0+s2], $0x80, $0x38;
	[tilespmem:$0x5000] =	vst v63  }
0x1a9: {  	s0 =	sld [smem:$0x7F9];
	_ =	sdelay $0x1  }
0x1aa: {  	s26 =	simm.s32 $0x1B80  }
0x1ab: {  	[tilespmem:s26], [sflag:$0x1] =	stream.linear.gather [hbm4b:s0+s2], $0x80, $0x38;
	[tilespmem:$0x5000] =	vst v63  }
0x1ac: {  	s0 =	sld [smem:$0x7FA];
	_ =	sdelay $0x1  }
0x1ad: {  	s26 =	simm.s32 $0x1F80  }
0x1ae: {  	[tilespmem:s26], [sflag:$0x1] =	stream.linear.gather [hbm4b:s0+s2], $0x80, $0x38;
	[tilespmem:$0x5000] =	vst v63  }
0x1af: {  	s26 =	simm.s32 $0x2380;
	s0 =	sld [smem:$0x7FB]  }
0x1b0: {  	[tilespmem:s26], [sflag:$0x1] =	stream.linear.gather [hbm4b:s18+s2], $0x80, $0x38;
	[tilespmem:$0x5000] =	vst v63  }
0x1b1: {  	s26 =	simm.s32 $0x2780  }
0x1b2: {  	[tilespmem:s26], [sflag:$0x1] =	stream.linear.gather [hbm4b:s0+s2], $0x80, $0x38;
	[tilespmem:$0x5000] =	vst v63  }
0x1b3: {  	s0 =	sld [smem:$0x7FC];
	_ =	sdelay $0x1  }
0x1b4: {  	s26 =	simm.s32 $0x2B80  }
0x1b5: {  	[tilespmem:s26], [sflag:$0x1] =	stream.linear.gather [hbm4b:s0+s2], $0x80, $0x38;
	[tilespmem:$0x5000] =	vst v63  }
0x1b6: {  	s0 =	sld [smem:$0x7FD];
	_ =	sdelay $0x1  }
0x1b7: {  	s26 =	simm.s32 $0x2F80  }
0x1b8: {  	[tilespmem:s26], [sflag:$0x1] =	stream.linear.gather [hbm4b:s0+s2], $0x80, $0x38;
	[tilespmem:$0x5000] =	vst v63  }
0x1b9: {  	s26 =	simm.s32 $0x3380  }
0x1ba: {  	[tilespmem:s26], [sflag:$0x1] =	stream.linear.gather [hbm4b:s1+s2], $0x80, $0x38;
	[tilespmem:$0x5000] =	vst v63  }
0x1bb: {  	s26 =	simm.s32 $0x3780  }
0x1bc: {  	[tilespmem:s26], [sflag:$0x1] =	stream.linear.gather [hbm4b:s19+s2], $0x80, $0x38;
	[tilespmem:$0x5000] =	vst v63  }
0x1bd: {  	s26 =	simm.s32 $0x3B80  }
0x1be: {  	[tilespmem:s26], [sflag:$0x1] =	stream.linear.gather [hbm4b:s20+s2], $0x80, $0x38;
	[tilespmem:$0x5000] =	vst v63  }
0x1bf: {  	s26 =	simm.s32 $0x3F80  }
0x1c0: {  	[tilespmem:s26], [sflag:$0x1] =	stream.linear.gather [hbm4b:s21+s2], $0x80, $0x38;
	[tilespmem:$0x5000] =	vst v63  }
0x1c1: {  	_ =	swait.ge [sflag:s22], $0x400  }
0x1c2: {  	[sflag:s22] =	ssyncset.done $0x0  }
0x1c3: {  	[sflag:s22] =	ssyncadd.s32 $0xFFFFFC00  }
0x1c4: {  	_ =	swait.ge [sflag:s22], $0x400  }
0x1c5: {  	[sflag:s22] =	ssyncset.done $0x0  }
0x1c6: {  	[sflag:s22] =	ssyncadd.s32 $0xFFFFFC00  }
0x1c7: {  	_ =	swait.ge [sflag:s22], $0x400  }
0x1c8: {  	[sflag:s22] =	ssyncset.done $0x0  }
0x1c9: {  	[sflag:s22] =	ssyncadd.s32 $0xFFFFFC00  }
0x1ca: {  	_ =	swait.ge [sflag:s22], $0x400  }
0x1cb: {  	[sflag:s22] =	ssyncset.done $0x0  }
0x1cc: {  	[sflag:s22] =	ssyncadd.s32 $0xFFFFFC00  }
0x1cd: {  	_ =	swait.ge [sflag:s22], $0x400  }
0x1ce: {  	[sflag:s22] =	ssyncset.done $0x0  }
0x1cf: {  	[sflag:s22] =	ssyncadd.s32 $0xFFFFFC00  }
0x1d0: {  	_ =	swait.ge [sflag:s22], $0x400  }
0x1d1: {  	[sflag:s22] =	ssyncset.done $0x0  }
0x1d2: {  	[sflag:s22] =	ssyncadd.s32 $0xFFFFFC00  }
0x1d3: {  	_ =	swait.ge [sflag:s22], $0x400  }
0x1d4: {  	[sflag:s22] =	ssyncset.done $0x0  }
0x1d5: {  	[sflag:s22] =	ssyncadd.s32 $0xFFFFFC00  }
0x1d6: {  	_ =	swait.ge [sflag:s22], $0x400  }
0x1d7: {  	[sflag:s22] =	ssyncset.done $0x0  }
0x1d8: {  	[sflag:s22] =	ssyncadd.s32 $0xFFFFFC00  }
0x1d9: {  	_ =	swait.ge [sflag:s22], $0x400  }
0x1da: {  	[sflag:s22] =	ssyncset.done $0x0  }
0x1db: {  	[sflag:s22] =	ssyncadd.s32 $0xFFFFFC00  }
0x1dc: {  	_ =	swait.ge [sflag:s22], $0x400  }
0x1dd: {  	[sflag:s22] =	ssyncset.done $0x0  }
0x1de: {  	[sflag:s22] =	ssyncadd.s32 $0xFFFFFC00  }
0x1df: {  	_ =	swait.ge [sflag:s22], $0x400  }
0x1e0: {  	[sflag:s22] =	ssyncset.done $0x0  }
0x1e1: {  	[sflag:s22] =	ssyncadd.s32 $0xFFFFFC00  }
0x1e2: {  	_ =	swait.ge [sflag:s22], $0x400  }
0x1e3: {  	[sflag:s22] =	ssyncset.done $0x0  }
0x1e4: {  	[sflag:s22] =	ssyncadd.s32 $0xFFFFFC00  }
0x1e5: {  	_ =	swait.ge [sflag:s22], $0x400  }
0x1e6: {  	[sflag:s22] =	ssyncset.done $0x0  }
0x1e7: {  	[sflag:s22] =	ssyncadd.s32 $0xFFFFFC00  }
0x1e8: {  	_ =	swait.ge [sflag:s22], $0x400  }
0x1e9: {  	[sflag:s22] =	ssyncset.done $0x0  }
0x1ea: {  	[sflag:s22] =	ssyncadd.s32 $0xFFFFFC00  }
0x1eb: {  	_ =	swait.ge [sflag:s22], $0x400  }
0x1ec: {  	[sflag:s22] =	ssyncset.done $0x0  }
0x1ed: {  	[sflag:s22] =	ssyncadd.s32 $0xFFFFFC00  }
0x1ee: {  	_ =	swait.ge [sflag:s22], $0x400  }
0x1ef: {  	s0 =	sand.u32 $0x70, s2;
	s26 =	sand.u32 $0x1C00, s2;
	[sflag:s22] =	ssyncset.done $0x0  }
0x1f0: {  	s0 =	sor.u32 s0, s26;
	[sflag:s22] =	ssyncadd.s32 $0xFFFFFC00  }
0x1f1: {  	v3 =	vld [tilespmem:s0+$0x2080]  }
0x1f2: {  	v4 =	vld [tilespmem:s0+$0x2000];
	_ =	sdelay $0x1  }
0x1f3: {  	v5 =	vld [tilespmem:s0+$0x80]  }
0x1f4: {  	v6 =	vld [tilespmem:s0+$0x2100]  }
0x1f5: {  	v7 =	vld [tilespmem:s0+$0x0]  }
0x1f6: {  	v8 =	vld [tilespmem:s0+$0x100];
	vm0 =	vlt.f32 v3, $-Inf;
	vm1 =	vgt.f32 v3, $-Inf;
	vm2 =	vgt.f32 v3, v4  }
0x1f7: {  	vm1 =	vmor vm1, vm0;
	vm3 =	vmneg vm2  }
0x1f8: {  	v9 =	vld [tilespmem:s0+$0x2180];
	v2 =	vsel vm2, $0x1, v0;
	v10 =	vnsel vm1, $0xFF800000, v3;
	v11 =	vnsel vm1, $0x0, v5  }
0x1f9: {  	v3 =	vsel vm3, v4, v3;
	vm1 =	vmand vm3, vm1;
	v10 =	vsel vm3, v10, v4  }
0x1fa: {  	v12 =	vld [tilespmem:s0+$0x2200];
	v5 =	vsel vm3, v7, v5;
	v11 =	vsel vm3, v11, v7;
	vm2 =	vgt.f32 v6, v10  }
0x1fb: {  	v4 =	vld [tilespmem:s0+$0x180];
	vm0 =	vgt.f32 v6, v3;
	v10 =	vsel vm2, v6, v10;
	v11 =	vsel vm2, v8, v11  }
0x1fc: {  	v6 =	vsel vm0, v6, v3;
	v3 =	vsel vm0, v3, v10;
	v10 =	vsel vm0, v5, v11  }
0x1fd: {  	v7 =	vld [tilespmem:s0+$0x200];
	v5 =	vsel vm0, v8, v5;
	v11 =	vsel vm1, $0x1, v0;
	vm7 =	vgt.f32 v9, v3  }
0x1fe: {  	v8 =	vld [tilespmem:s0+$0x2280];
	vm1 =	vgt.f32 v9, v6;
	v11 =	vsel vm2, $0x2, v11;
	v3 =	vsel vm7, v9, v3  }
0x1ff: {  	v11 =	vsel vm0, v2, v11;
	v13 =	vsel vm1, v6, v3  }
0x200: {  	v10 =	vsel vm7, v4, v10;
	v6 =	vsel vm1, v9, v6;
	v9 =	vld [tilespmem:s0+$0x280];
	vm3 =	vgt.f32 v12, v13  }
0x201: {  	v4 =	vsel vm1, v4, v5;
	v3 =	vld [tilespmem:s0+$0x2300];
	vm2 =	vgt.f32 v12, v6;
	v13 =	vsel vm3, v12, v13  }
0x202: {  	v5 =	vsel vm1, v5, v10;
	v63 =	vsel vm2, v7, v4;
	v10 =	vsel vm2, v6, v13  }
0x203: {  	s26 =	sor.u32 s2, s2;
	v5 =	vsel vm3, v7, v5;
	v6 =	vsel vm2, v12, v6;
	vm5 =	vgt.f32 v8, v10  }
0x204: {  	v5 =	vsel vm2, v4, v5;
	v4 =	vld [tilespmem:s0+$0x300];
	s0 =	sor.u32 $0x380, s26;
	vm4 =	vgt.f32 v8, v6;
	v7 =	vsel vm5, v8, v10  }
0x205: {  	v5 =	vsel vm5, v9, v5;
	v8 =	vsel vm4, v8, v6;
	v12 =	vsel vm4, v6, v7;
	v6 =	vld [tilespmem:s0+$0x2000]  }
0x206: {  	s30 =	simm.s32 $0x20;
	s28 =	simm.s32 $0x80;
	s26 =	simm.s32 $0x10;
	v9 =	vsel vm4, v9, v63;
	v10 =	vsel vm4, v63, v5;
	v7 =	vld [tilespmem:s0+$0x0];
	vm6 =	vgt.f32 v3, v12  }
0x207: {  	s29 =	simm.s32 $0x0;
	s31 =	sand.u32 $0x70, s26;
	s0 =	sand.u32 $0x1C00, s28;
	v5 =	vsel vm7, $0x3, v11;
	vm7 =	vgt.f32 v3, v8;
	v11 =	vsel vm6, v3, v12  }
.LBB2_2:
0x208: {  	p0 =	sne.s32 s30, $0x3F0  }
0x209: {  	s31 =	sor.u32 s31, s0;
	v11 =	vsel vm7, v8, v11;
	v10 =	vsel vm6, v4, v10;
	s0 =	smov.u32 s30;
	s30 =	sadd.s32 $0x10, s30  }
0x20a: {  	v3 =	vsel vm7, v3, v8;
	v10 =	vsel vm7, v9, v10;
	vm9 =	vgt.f32 v6, v11  }
0x20b: {  	v4 =	vsel vm7, v4, v9;
	vm8 =	vgt.f32 v6, v3;
	v3 =	vsel vm9, v7, v10  }
0x20c: {  	v3 =	vsel vm8, v4, v3;
	v4 =	vsel vm8, v7, v4  }
0x20d: {  	v6 =	vadd.f32 v3, v4;
	_ =	sdelay $0x1  }
0x20e: {  	v6 =	vadd.f32 $9.999999680e-21, v6;
	_ =	sdelay $0x1  }
0x20f: {  	(erf) = vrcp.f32 v6;
	_ =	sdelay $0x4  }
0x210: {  	v2 =	vsel vm0, $0x2, v2;
	v6 =	vmov s29;
	s29 =	smov.u32 s26;
	s26 =	smov.u32 s0  }
0x211: {  	v5 =	vsel vm1, v2, v5;
	v6 =	vshll.u32 v6, $0x1  }
0x212: {  	v2 =	vsel vm1, $0x3, v2;
	v5 =	vsel vm3, $0x4, v5;
	v6 =	vor.u32 v1, v6  }
0x213: {  	v5 =	vsel vm2, v2, v5;
	v7 =	vor.u32 $0x1, v6  }
0x214: {  	v2 =	vsel vm2, $0x4, v2;
	v5 =	vsel vm5, $0x5, v5;
	v8 =	vpop (erf)  }
0x215: {  	v5 =	vsel vm4, v2, v5;
	v4 =	vmul.f32 v8, v4;
	v3 =	vmul.f32 v8, v3  }
0x216: {  	v2 =	vsel vm4, $0x5, v2;
	v5 =	vsel vm6, $0x6, v5  }
0x217: {  	v5 =	vsel vm7, v2, v5;
	v2 =	vsel vm7, $0x6, v2;
	[tilespmem:v6+s23+$0x0] =	vst.idx.msk $0xffff, v4  }
0x218: {  	v4 =	vsel vm9, $0x7, v5;
	v5 =	vsel vm8, $0x7, v2;
	[tilespmem:v7+s23+$0x0] =	vst.idx.msk $0xffff, v3  }
0x219: {  	v2 =	vsel vm8, v2, v4;
	[tilespmem:v6+s24+$0x0] =	vst.idx.msk $0xffff, v5  }
0x21a: {  	[tilespmem:v7+s24+$0x0] =	vst.idx.msk $0xffff, v2  }
0x21b: {  	v3 =	vld [tilespmem:s31+$0x2080]  }
0x21c: {  	v4 =	vld [tilespmem:s31+$0x2000]  }
0x21d: {  	v5 =	vld [tilespmem:s31+$0x80]  }
0x21e: {  	v6 =	vld [tilespmem:s31+$0x2100]  }
0x21f: {  	v7 =	vld [tilespmem:s31+$0x0]  }
0x220: {  	v8 =	vld [tilespmem:s31+$0x100];
	vm0 =	vlt.f32 v3, $-Inf;
	vm1 =	vgt.f32 v3, $-Inf  }
0x221: {  	vm2 =	vgt.f32 v3, v4;
	vm1 =	vmor vm1, vm0  }
0x222: {  	v9 =	vld [tilespmem:s31+$0x2180];
	vm3 =	vmneg vm2;
	v10 =	vnsel vm1, $0xFF800000, v3;
	v2 =	vsel vm2, $0x1, v0  }
0x223: {  	v12 =	vnsel vm1, $0x0, v5;
	v11 =	vld [tilespmem:s31+$0x180];
	v10 =	vsel vm3, v10, v4;
	v3 =	vsel vm3, v4, v3  }
0x224: {  	v4 =	vsel vm3, v12, v7;
	vm0 =	vgt.f32 v6, v3;
	vm2 =	vgt.f32 v6, v10  }
0x225: {  	v12 =	vld [tilespmem:s31+$0x2200];
	v10 =	vsel vm2, v6, v10;
	v4 =	vsel vm2, v8, v4;
	v6 =	vsel vm0, v6, v3  }
0x226: {  	vm1 =	vmand vm3, vm1;
	v5 =	vsel vm3, v7, v5;
	v3 =	vsel vm0, v3, v10  }
0x227: {  	v4 =	vsel vm0, v5, v4;
	v5 =	vsel vm0, v8, v5;
	v7 =	vld [tilespmem:s31+$0x200];
	vm7 =	vgt.f32 v9, v3  }
0x228: {  	v10 =	vsel vm1, $0x1, v0;
	vm1 =	vgt.f32 v9, v6;
	v8 =	vld [tilespmem:s31+$0x2280];
	v3 =	vsel vm7, v9, v3  }
0x229: {  	v10 =	vsel vm2, $0x2, v10;
	v13 =	vld [tilespmem:s31+$0x280];
	v14 =	vsel vm1, v6, v3;
	v6 =	vsel vm1, v9, v6  }
0x22a: {  	v15 =	vsel vm0, v2, v10;
	v9 =	vsel vm7, v11, v4;
	vm3 =	vgt.f32 v12, v14  }
0x22b: {  	v10 =	vsel vm1, v11, v5;
	vm2 =	vgt.f32 v12, v6;
	v3 =	vld [tilespmem:s31+$0x2300];
	v11 =	vsel vm3, v12, v14  }
0x22c: {  	s0 =	sor.u32 s28, s29;
	v5 =	vsel vm1, v5, v9;
	v4 =	vld [tilespmem:s31+$0x300];
	v9 =	vsel vm2, v6, v11;
	v11 =	vsel vm2, v7, v10  }
.Ltmp0:
0x22d: {  	s0 =	sor.u32 $0x380, s0;
	v12 =	vsel vm2, v12, v6;
	v5 =	vsel vm3, v7, v5;
	vm5 =	vgt.f32 v8, v9;
	(pc) =	sbr.rel @p0 .LBB2_2-.Ltmp0, $4  }
0x22e: {  	v5 =	vsel vm2, v10, v5;
	vm4 =	vgt.f32 v8, v12;
	v6 =	vld [tilespmem:s0+$0x2000];
	v9 =	vsel vm5, v8, v9  }
0x22f: {  	v5 =	vsel vm5, v13, v5;
	v8 =	vsel vm4, v8, v12;
	v7 =	vld [tilespmem:s0+$0x0];
	v14 =	vsel vm4, v12, v9  }
0x230: {  	s28 =	sadd.s32 $0x80, s28;
	v10 =	vsel vm4, v11, v5;
	v9 =	vsel vm4, v13, v11;
	vm6 =	vgt.f32 v3, v14  }
0x231: {  	s31 =	sand.u32 $0x70, s26;
	s0 =	sand.u32 $0x1C00, s28;
	v5 =	vsel vm7, $0x3, v15;
	vm7 =	vgt.f32 v3, v8;
	v11 =	vsel vm6, v3, v14  }
0x232: {  	v11 =	vsel vm7, v8, v11;
	v10 =	vsel vm6, v4, v10  }
0x233: {  	v3 =	vsel vm7, v3, v8;
	v10 =	vsel vm7, v9, v10;
	vm8 =	vgt.f32 v6, v11  }
0x234: {  	v34 =	vsel vm7, v4, v9;
	vm9 =	vgt.f32 v6, v3;
	v3 =	vsel vm8, v7, v10  }
0x235: {  	v4 =	vsel vm9, v7, v34;
	v3 =	vsel vm9, v34, v3  }
0x236: {  	v35 =	vadd.f32 v3, v4;
	_ =	sdelay $0x1  }
0x237: {  	v6 =	vadd.f32 $9.999999680e-21, v35;
	_ =	sdelay $0x1  }
0x238: {  	(erf) = vrcp.f32 v6;
	_ =	sdelay $0x4  }
0x239: {  	v2 =	vsel vm0, $0x2, v2;
	v36 =	vmov s29  }
0x23a: {  	v5 =	vsel vm1, v2, v5;
	v6 =	vshll.u32 v36, $0x1  }
0x23b: {  	v2 =	vsel vm1, $0x3, v2;
	v5 =	vsel vm3, $0x4, v5;
	v6 =	vor.u32 v1, v6  }
0x23c: {  	v5 =	vsel vm2, v2, v5;
	v37 =	vor.u32 $0x1, v6  }
0x23d: {  	v2 =	vsel vm2, $0x4, v2;
	v5 =	vsel vm5, $0x5, v5;
	v38 =	vpop (erf)  }
0x23e: {  	v5 =	vsel vm4, v2, v5;
	v4 =	vmul.f32 v38, v4  }
0x23f: {  	v2 =	vsel vm4, $0x5, v2;
	v5 =	vsel vm6, $0x6, v5;
	v3 =	vmul.f32 v38, v3  }
0x240: {  	v5 =	vsel vm7, v2, v5;
	v2 =	vsel vm7, $0x6, v2;
	[tilespmem:v6+s23+$0x0] =	vst.idx.msk $0xffff, v4  }
0x241: {  	v39 =	vsel vm8, $0x7, v5;
	v40 =	vsel vm9, $0x7, v2;
	[tilespmem:v37+s23+$0x0] =	vst.idx.msk $0xffff, v3  }
0x242: {  	v2 =	vsel vm9, v2, v39;
	[tilespmem:v6+s24+$0x0] =	vst.idx.msk $0xffff, v40  }
0x243: {  	s0 =	sor.u32 s31, s0;
	[tilespmem:v37+s24+$0x0] =	vst.idx.msk $0xffff, v2  }
0x244: {  	v2 =	vld [tilespmem:s0+$0x2080]  }
0x245: {  	v3 =	vld [tilespmem:s0+$0x2000];
	_ =	sdelay $0x2  }
0x246: {  	v41 =	vld [tilespmem:s0+$0x2100]  }
0x247: {  	vm14 =	vlt.f32 v2, $-Inf;
	vm15 =	vgt.f32 v2, $-Inf  }
0x248: {  	v5 =	vld [tilespmem:s0+$0x80];
	vm0 =	vgt.f32 v2, v3;
	vm1 =	vmor vm15, vm14  }
0x249: {  	v6 =	vld [tilespmem:s0+$0x2180];
	vm2 =	vmneg vm0;
	v42 =	vnsel vm1, $0xFF800000, v2  }
0x24a: {  	v43 =	vld [tilespmem:s0+$0x0];
	v7 =	vsel vm2, v42, v3  }
0x24b: {  	v44 =	vld [tilespmem:s0+$0x100];
	v2 =	vsel vm2, v3, v2;
	vm4 =	vgt.f32 v41, v7  }
0x24c: {  	vm3 =	vgt.f32 v41, v2;
	v3 =	vld [tilespmem:s0+$0x2200];
	v7 =	vsel vm4, v41, v7  }
0x24d: {  	v7 =	vsel vm3, v2, v7  }
0x24e: {  	v45 =	vld [tilespmem:s0+$0x180];
	v46 =	vnsel vm1, $0x0, v5;
	v2 =	vsel vm3, v41, v2;
	vm6 =	vgt.f32 v6, v7  }
0x24f: {  	v48 =	vld [tilespmem:s0+$0x2280];
	v47 =	vsel vm2, v46, v43;
	vm5 =	vgt.f32 v6, v2;
	v7 =	vsel vm6, v6, v7  }
0x250: {  	v49 =	vld [tilespmem:s0+$0x200];
	v5 =	vsel vm2, v43, v5;
	v4 =	vsel vm4, v44, v47;
	v7 =	vsel vm5, v2, v7  }
0x251: {  	v12 =	vld [tilespmem:s0+$0x280];
	v4 =	vsel vm3, v5, v4;
	v2 =	vsel vm5, v6, v2;
	vm8 =	vgt.f32 v3, v7  }
0x252: {  	v50 =	vld [tilespmem:s0+$0x2300];
	v5 =	vsel vm3, v44, v5;
	vm7 =	vgt.f32 v3, v2;
	v7 =	vsel vm8, v3, v7  }
0x253: {  	s28 =	sor.u32 s28, s26;
	v4 =	vsel vm6, v45, v4;
	v9 =	vsel vm5, v45, v5;
	v7 =	vsel vm7, v2, v7  }
0x254: {  	s28 =	sor.u32 $0x380, s28;
	v51 =	vld [tilespmem:s0+$0x300];
	v4 =	vsel vm5, v5, v4;
	v2 =	vsel vm7, v3, v2;
	vm10 =	vgt.f32 v48, v7  }
0x255: {  	v52 =	vld [tilespmem:s28+$0x2000];
	v3 =	vsel vm8, v49, v4;
	vm9 =	vgt.f32 v48, v2;
	v53 =	vsel vm10, v48, v7  }
0x256: {  	v55 =	vld [tilespmem:s28+$0x0];
	v54 =	vsel vm7, v49, v9;
	v3 =	vsel vm7, v9, v3;
	v5 =	vsel vm9, v2, v53  }
0x257: {  	v3 =	vsel vm10, v12, v3;
	v2 =	vsel vm9, v48, v2;
	vm11 =	vgt.f32 v50, v5  }
0x258: {  	v3 =	vsel vm9, v54, v3;
	vm12 =	vgt.f32 v50, v2;
	v5 =	vsel vm11, v50, v5  }
0x259: {  	v7 =	vsel vm9, v12, v54;
	v3 =	vsel vm11, v51, v3;
	v5 =	vsel vm12, v2, v5  }
0x25a: {  	v2 =	vsel vm12, v50, v2;
	v3 =	vsel vm12, v7, v3;
	vm14 =	vgt.f32 v52, v5  }
0x25b: {  	v56 =	vsel vm12, v51, v7;
	vm13 =	vgt.f32 v52, v2;
	v2 =	vsel vm14, v55, v3  }
0x25c: {  	v3 =	vsel vm13, v55, v56;
	v2 =	vsel vm13, v56, v2  }
0x25d: {  	v57 =	vadd.f32 v2, v3;
	_ =	sdelay $0x1  }
0x25e: {  	v4 =	vadd.f32 $9.999999680e-21, v57;
	_ =	sdelay $0x1  }
0x25f: {  	(erf) = vrcp.f32 v4  }
0x260: {  	vm1 =	vmand vm2, vm1  }
0x261: {  	v58 =	vsel vm1, $0x1, v0  }
0x262: {  	v59 =	vsel vm0, $0x1, v0;
	v4 =	vsel vm4, $0x2, v58  }
0x263: {  	v4 =	vsel vm3, v59, v4  }
0x264: {  	v60 =	vmov s26;
	v5 =	vsel vm3, $0x2, v59;
	v4 =	vsel vm6, $0x3, v4  }
0x265: {  	v6 =	vshll.u32 v60, $0x1;
	v4 =	vsel vm5, v5, v4  }
0x266: {  	v6 =	vor.u32 v1, v6;
	v5 =	vsel vm5, $0x3, v5;
	v4 =	vsel vm8, $0x4, v4  }
0x267: {  	v61 =	vor.u32 $0x1, v6;
	v4 =	vsel vm7, v5, v4  }
0x268: {  	v5 =	vsel vm7, $0x4, v5;
	v4 =	vsel vm10, $0x5, v4;
	v62 =	vpop (erf)  }
0x269: {  	v4 =	vsel vm9, v5, v4;
	v3 =	vmul.f32 v62, v3  }
0x26a: {  	v5 =	vsel vm9, $0x5, v5;
	v4 =	vsel vm11, $0x6, v4;
	v2 =	vmul.f32 v62, v2  }
0x26b: {  	v4 =	vsel vm12, v5, v4;
	v5 =	vsel vm12, $0x6, v5;
	[tilespmem:v6+s23+$0x0] =	vst.idx.msk $0xffff, v3  }
0x26c: {  	v63 =	vsel vm13, $0x7, v5;
	v3 =	vsel vm14, $0x7, v4;
	[tilespmem:v61+s23+$0x0] =	vst.idx.msk $0xffff, v2  }
0x26d: {  	v2 =	vsel vm13, v5, v3;
	[tilespmem:v6+s24+$0x0] =	vst.idx.msk $0xffff, v63  }
0x26e: {  	s29 =	rddreg [dreg:$0x3];
	[tilespmem:v61+s24+$0x0] =	vst.idx.msk $0xffff, v2  }
0x26f: {  	[hbm4b:s29+s2] =	stream.linear.scatter [tilespmem:s23], [sflag:$0x1], $0x800, $0x38;
	[tilespmem:$0x5000] =	vst v63  }
0x270: {  	s30 =	rddreg [dreg:$0x4]  }
0x271: {  	[hbm4b:s30+s2] =	stream.linear.scatter [tilespmem:s24], [sflag:$0x1], $0x800, $0x38;
	[tilespmem:$0x5000] =	vst v63  }
0x272: {  	_ =	swait.ge [sflag:s22], $0x800  }
0x273: {  	[sflag:s22] =	ssyncset.done $0x0  }
0x274: {  	[sflag:s22] =	ssyncadd.s32 $0xFFFFF800  }
0x275: {  	_ =	swait.ge [sflag:s22], $0x800  }
0x276: {  	s25 =	sadd.s32 $0x1, s25;
	s31 =	rddreg [dreg:$0x5]  }
0x277: {  	p0 =	sne.s32 s25, s31  }
.Ltmp1:
0x278: {  	_ = 	snop;
	(pc) =	sbr.rel @p0 .LBB2_1-.Ltmp1, $3  }
0x279: {  	_ =	sdelay $0x1  }
0x27a: {  	[sflag:s22] =	ssyncset.done $0x0  }
0x27b: {  	[sflag:s22] =	ssyncadd.s32 $0xFFFFF800  }
0x27c: {  	_ =	sfence.sel $0x180000  }
0x27d: {  	[bflag:$0x0] =	sbarrier.arrive $0xFFFF  }
0x27e: {  	_ =	strace $0x90000047  }
0x27f: {  	s0 =	stileid.u32;
	[bflag:$0x2] =	sbarrier.arrive $0xFFFF  }
0x280: {  	p0 =	sne.s32 s0, $0x0;
	s0 =	rddreg [dreg:$0x2]  }
0x281: {  	s0 =	sadd.s32 @!p0 $0x100000, s0  }
0x282: {  	[sflag:s0] =	ssyncadd.tile.s32 @!p0 $0x1;
	_ =	shalt  }
.Lfunc_end2:
_tile_overlayer_lowered:
.L_overlay_start_2:
0x283: {  	(tag) =	ssettag $0x2  }
0x284: {  	s0 =	rddreg [dreg:$0x0];
	s2 =	stileid.u32  }
0x285: {  	s1 =	rddreg [dreg:$0x1];
	p0 =	sne.s32 s2, $0x0  }
0x286: {  	s3 =	rddreg [dreg:$0x2];
	[bflag:$0x3] =	sbarrier.arrive $0xFFFF;
	s2 =	simm.s32 @!p0 $0x1C02  }
0x287: {  	[timem:s3], [sflag:s2] =	dma.local @!p0 [hbm:s0], s1  }
0x288: {  	s0 =	simm.s32 @!p0 $0x2  }
0x289: {  	_ =	swait.ge @!p0 [sflag:s0], s1  }
0x28a: {  	s1 =	ssub.s32 @!p0 $0x0, s1;
	[sflag:s0] =	ssyncset.done @!p0 $0x0  }
0x28b: {  	[sflag:s0] =	ssyncadd.s32 @!p0 s1  }
0x28c: {  	[bflag:$0x3] =	sbarrier.arrive $0xFFFF  }
0x28d: {  	_ =	shalt  }

</sc_bundles>
